<compile_context>
chip_gen: v7x
topology: tpu7x:2x2x1
jax: 0.10.2.dev20260603
libtpu: 0.0.44.dev20260713+nightly
codegen_flags: <defaults>
</compile_context>

<pallas_src>
import functools
import math

import jax
import jax.numpy as jnp
import numpy as np
from jax import lax
from jax.experimental import pallas as pl
from jax.experimental.pallas import tpu as pltpu
from jax.experimental.pallas import tpu_sc as plsc

_N = 32768
_E = 64
_R, _C = 256, 128
_K_RANK = 29491

_PI = np.float32(math.pi)
_TWO_PI = np.float32(2.0 * math.pi)
_INV_EPS = np.float32(1.0 / 1.1)
_STEP = np.float32(2.0 * math.pi / 64.0)
_NEG_PI = np.float32(-math.pi)


def _stage1_body(g_ref, out_ref):
    gr = g_ref[0]
    gi = g_ref[1]
    m2 = gr * gr + gi * gi
    bits = lax.bitcast_convert_type(m2, jnp.int32)

    kfull = jnp.full((1, 1), np.float32(_K_RANK + 1))

    def count_lt(pivot):
        return jnp.sum((bits < pivot).astype(jnp.float32), keepdims=True)

    top = jnp.full((1, 1), np.int32(1 << 30))
    prefix = jnp.where(count_lt(top) >= kfull, jnp.zeros_like(top), top)

    for lvl in range(15):
        step = np.int32(1 << (28 - 2 * lvl))
        c1 = count_lt(prefix + step)
        c2 = count_lt(prefix + 2 * step)
        c3 = count_lt(prefix + 3 * step)
        nbits = ((c1 < kfull).astype(jnp.int32)
                 + (c2 < kfull).astype(jnp.int32)
                 + (c3 < kfull).astype(jnp.int32))
        prefix = prefix + nbits * step

    v_hi = prefix
    cnt_lt = count_lt(v_hi)
    not_tied = cnt_lt >= np.float32(_K_RANK)
    res = ((bits > v_hi)
           | ((bits >= v_hi) & not_tied)).astype(jnp.float32)

    ph = jnp.arctan2(gi, gr) * _INV_EPS
    ph = (ph + _PI) - _PI

    t = (ph + _PI) / _TWO_PI * np.float32(64.0)
    binf = jnp.clip(jnp.floor(t), np.float32(0.0), np.float32(63.0))
    b2f = jnp.where(binf == np.float32(63.0), np.float32(0.0),
                    binf + np.float32(1.0))

    c1 = _NEG_PI + (binf + np.float32(0.5)) * _STEP
    c2 = _NEG_PI + (b2f + np.float32(0.5)) * _STEP
    d1 = jnp.abs(ph - c1)
    d1 = jnp.minimum(d1, _TWO_PI - d1)
    d2 = jnp.abs(ph - c2)
    d2 = jnp.minimum(d2, _TWO_PI - d2)
    e1 = jnp.exp(d1 * np.float32(-64.0))
    e2 = jnp.exp(d2 * np.float32(-64.0))

    den = e1 + res * e2 + np.float32(1e-9) * (e1 + e2)
    out_ref[0] = binf
    out_ref[1] = e1 / den
    out_ref[2] = (res * e2) / den


_TOK_PER_W = 1024
_ROWS_PER_W = 8
_SLAB = _TOK_PER_W * _E


def _stage2_sc_body(cmp_hbm, out_hbm, binv, w1v, w2v, buf, sem):
    wid = lax.axis_index("s") * 2 + lax.axis_index("c")
    r0 = wid * _ROWS_PER_W
    c0 = pltpu.async_copy(cmp_hbm.at[0, pl.ds(r0, _ROWS_PER_W), :], binv, sem)
    c1 = pltpu.async_copy(cmp_hbm.at[1, pl.ds(r0, _ROWS_PER_W), :], w1v, sem)
    c2 = pltpu.async_copy(cmp_hbm.at[2, pl.ds(r0, _ROWS_PER_W), :], w2v, sem)

    zz = jnp.zeros((16,), jnp.float32)

    def zero_step(i, carry):
        row = i >> 2
        base = (i & 3) * 256
        for k in range(16):
            buf[row, pl.ds(base + k * 16, 16)] = zz
        return carry

    lax.fori_loop(0, _E * 4, zero_step, 0)
    c0.wait()
    c1.wait()
    c2.wait()

    lane = lax.iota(jnp.int32, 16)

    def scatter_step(i, carry):
        row = i >> 3
        col = (i & 7) * 16
        lt = i * 16 + lane
        b = binv[row, pl.ds(col, 16)].astype(jnp.int32)
        b = jnp.clip(b, 0, 63)
        b2 = jnp.where(b == 63, 0, b + 1)
        w1 = w1v[row, pl.ds(col, 16)]
        w2 = w2v[row, pl.ds(col, 16)]
        plsc.store_scatter(buf, [b, lt], w1)
        plsc.store_scatter(buf, [b2, lt], w2)
        return carry

    lax.fori_loop(0, _TOK_PER_W // 16, scatter_step, 0)

    batch = wid >> 3
    t0 = (wid & 7) * _TOK_PER_W
    pltpu.sync_copy(buf, out_hbm.at[batch, :, pl.ds(t0, _TOK_PER_W)])


_sc_mesh = plsc.VectorSubcoreMesh(core_axis_name="c", subcore_axis_name="s")

_stage2_sc = functools.partial(
    pl.kernel,
    out_type=jax.ShapeDtypeStruct((4, _E, 8192), jnp.float32),
    mesh=_sc_mesh,
    compiler_params=pltpu.CompilerParams(needs_layout_passes=False),
    scratch_types=[
        pltpu.VMEM((_ROWS_PER_W, _C), jnp.float32),
        pltpu.VMEM((_ROWS_PER_W, _C), jnp.float32),
        pltpu.VMEM((_ROWS_PER_W, _C), jnp.float32),
        pltpu.VMEM((_E, _TOK_PER_W), jnp.float32),
        pltpu.SemaphoreType.DMA,
    ],
)(_stage2_sc_body)


def kernel(G_ii):
    g3 = G_ii.reshape(_R, _C, 2)
    sel = jnp.array([[1.0, 0.0], [0.0, 1.0]], jnp.float32).reshape(2, 1, 1, 2)
    grgi = jnp.sum(g3[None] * sel, axis=-1)

    compact = pl.pallas_call(
        _stage1_body,
        out_shape=jax.ShapeDtypeStruct((3, _R, _C), jnp.float32),
    )(grgi)

    out = _stage2_sc(compact)
    return out.transpose(0, 2, 1)

# --- scband reference (transcript-rebuilt; emitter-appended) ---
"""Pipeline reference for scband-scattering-router-62319975465277 (READ-ONLY COPY).

The authoritative reference and input builder live on the scoring server;
editing this copy changes nothing except your own understanding.
"""

import jax, jax.numpy as jnp
import numpy as np
import math

NUM_EXPERTS = 64
RESONANCE_THRESHOLD = 0.1
EPSILON = 1.0


def setup_inputs(seed: int = 0) -> dict:
    key = jax.random.key(seed)
    G_ii = jax.random.normal(key, (4, 8192, 2), dtype=jnp.float32)
    return {"G_ii": G_ii}


def reference(G_ii):
    # Split real/imag channels of the Birman-Schwinger resolvent diagonal
    G_real = G_ii[..., 0]
    G_imag = G_ii[..., 1]

    # compute_scattering_phase: delta_eps(lambda) = arg(det_2(I + K_eps))
    phase = jnp.arctan2(G_imag, G_real)
    phase = phase * (1.0 / (EPSILON + 0.1))
    phase = jnp.mod(phase + math.pi, 2.0 * math.pi) - math.pi  # wrap to [-pi, pi]

    # detect_resonances: tokens where |D_eps| is in the top resonance_threshold quantile
    magnitude = jnp.sqrt(G_real ** 2 + G_imag ** 2)
    threshold_value = jnp.quantile(magnitude, 1.0 - RESONANCE_THRESHOLD)
    is_resonance = (magnitude > threshold_value).astype(G_ii.dtype)

    # Route to expert e if delta in [(e-1)*pi/E, e*pi/E] (phase binned over [-pi, pi])
    bin_edges = jnp.linspace(-math.pi, math.pi, NUM_EXPERTS + 1)
    bin_centers = 0.5 * (bin_edges[:-1] + bin_edges[1:])

    # Soft gate from circular distance of phase to each expert's bin center
    dist = jnp.abs(phase[..., None] - bin_centers[None, None, :])
    dist = jnp.minimum(dist, 2.0 * math.pi - dist)
    gate_logits = -dist * NUM_EXPERTS
    probs = jax.nn.softmax(gate_logits, axis=-1)  # (B, N, E)

    # Hard primary expert (top-1) plus neighbor expert for resonance tokens (top-2)
    bin_idx = jnp.clip(
        jnp.floor((phase + math.pi) / (2.0 * math.pi) * NUM_EXPERTS),
        0, NUM_EXPERTS - 1,
    ).astype(jnp.int32)
    primary = jax.nn.one_hot(bin_idx, NUM_EXPERTS, dtype=G_ii.dtype)
    secondary = jax.nn.one_hot((bin_idx + 1) % NUM_EXPERTS, NUM_EXPERTS, dtype=G_ii.dtype)
    k_mask = primary + is_resonance[..., None] * secondary

    combine_weights = probs * k_mask
    combine_weights = combine_weights / (
        jnp.sum(combine_weights, axis=-1, keepdims=True) + 1e-9
    )
    return combine_weights

if __name__ == "__main__":
    import jax
    _d = setup_inputs()
    print(jax.jit(kernel)(*tuple(_d.values())))

</pallas_src>

<mosaic_0001>
#map = affine_map<(d0, d1) -> (0, 0, 0)>
module attributes {stable_mosaic.version = 14 : i64} {
  func.func @_stage2_sc_body(%arg0: i32, %arg1: i32, %arg2: memref<3x256x128xf32, #tpu.memory_space<hbm>>, %arg3: memref<4x64x8192xf32, #tpu.memory_space<hbm>>, %arg4: memref<8x128xf32, #tpu.memory_space<vmem>>, %arg5: memref<8x128xf32, #tpu.memory_space<vmem>>, %arg6: memref<8x128xf32, #tpu.memory_space<vmem>>, %arg7: memref<64x1024xf32, #tpu.memory_space<vmem>>, %arg8: memref<!tpu.dma_semaphore, #tpu.memory_space<semaphore_mem>>) attributes {dimension_semantics = [#tpu.dimension_semantics<core_parallel>, #tpu.dimension_semantics<subcore_parallel>], iteration_bounds = array<i64: 2, 16>, scalar_prefetch = 0 : i64, scratch_operands = 5 : i64, tpu.core_type = #tpu.core_type<sc_vector_subcore>, window_params = [{transform_indices = #map}, {transform_indices = #map}]} {
    %mul3A = arith.constant 2 : i32
    %mul3A_0 = arith.muli %arg1, %mul3A : i32
    %add3A = arith.addi %mul3A_0, %arg0 : i32
    %mul3A_1 = arith.constant 8 : i32
    %mul3A_2 = arith.muli %add3A, %mul3A_1 : i32
    %dma_start3A = arith.constant 0 : i32
    %dma_start3A_3 = arith.constant 0 : i32
    %dma_start3A_4 = tpu.memref_slice %arg2[%dma_start3A, %mul3A_2, %dma_start3A_3] : memref<3x256x128xf32, #tpu.memory_space<hbm>> -> memref<1x8x128xf32, #tpu.memory_space<hbm>>
    %dma_start3A_5 = tpu.memref_squeeze %dma_start3A_4 : memref<1x8x128xf32, #tpu.memory_space<hbm>> -> memref<8x128xf32, #tpu.memory_space<hbm>>
    %dma_start3A_6 = arith.constant 0 : i32
    %dma_start3A_7 = tpu.memref_slice %arg2[%dma_start3A, %mul3A_2, %dma_start3A_6] : memref<3x256x128xf32, #tpu.memory_space<hbm>> -> memref<1x8x128xf32, #tpu.memory_space<hbm>>
    %dma_start3A_8 = tpu.memref_squeeze %dma_start3A_7 : memref<1x8x128xf32, #tpu.memory_space<hbm>> -> memref<8x128xf32, #tpu.memory_space<hbm>>
    tpu.enqueue_dma source(%dma_start3A_8 : memref<8x128xf32, #tpu.memory_space<hbm>>) target(%arg4 : memref<8x128xf32, #tpu.memory_space<vmem>>) target_semaphore(%arg8 : memref<!tpu.dma_semaphore, #tpu.memory_space<semaphore_mem>>)
    %dma_start3A_9 = arith.constant 1 : i32
    %dma_start3A_10 = arith.constant 0 : i32
    %dma_start3A_11 = tpu.memref_slice %arg2[%dma_start3A_9, %mul3A_2, %dma_start3A_10] : memref<3x256x128xf32, #tpu.memory_space<hbm>> -> memref<1x8x128xf32, #tpu.memory_space<hbm>>
    %dma_start3A_12 = tpu.memref_squeeze %dma_start3A_11 : memref<1x8x128xf32, #tpu.memory_space<hbm>> -> memref<8x128xf32, #tpu.memory_space<hbm>>
    %dma_start3A_13 = arith.constant 0 : i32
    %dma_start3A_14 = tpu.memref_slice %arg2[%dma_start3A_9, %mul3A_2, %dma_start3A_13] : memref<3x256x128xf32, #tpu.memory_space<hbm>> -> memref<1x8x128xf32, #tpu.memory_space<hbm>>
    %dma_start3A_15 = tpu.memref_squeeze %dma_start3A_14 : memref<1x8x128xf32, #tpu.memory_space<hbm>> -> memref<8x128xf32, #tpu.memory_space<hbm>>
    tpu.enqueue_dma source(%dma_start3A_15 : memref<8x128xf32, #tpu.memory_space<hbm>>) target(%arg5 : memref<8x128xf32, #tpu.memory_space<vmem>>) target_semaphore(%arg8 : memref<!tpu.dma_semaphore, #tpu.memory_space<semaphore_mem>>)
    %dma_start3A_16 = arith.constant 2 : i32
    %dma_start3A_17 = arith.constant 0 : i32
    %dma_start3A_18 = tpu.memref_slice %arg2[%dma_start3A_16, %mul3A_2, %dma_start3A_17] : memref<3x256x128xf32, #tpu.memory_space<hbm>> -> memref<1x8x128xf32, #tpu.memory_space<hbm>>
    %dma_start3A_19 = tpu.memref_squeeze %dma_start3A_18 : memref<1x8x128xf32, #tpu.memory_space<hbm>> -> memref<8x128xf32, #tpu.memory_space<hbm>>
    %dma_start3A_20 = arith.constant 0 : i32
    %dma_start3A_21 = tpu.memref_slice %arg2[%dma_start3A_16, %mul3A_2, %dma_start3A_20] : memref<3x256x128xf32, #tpu.memory_space<hbm>> -> memref<1x8x128xf32, #tpu.memory_space<hbm>>
    %dma_start3A_22 = tpu.memref_squeeze %dma_start3A_21 : memref<1x8x128xf32, #tpu.memory_space<hbm>> -> memref<8x128xf32, #tpu.memory_space<hbm>>
    tpu.enqueue_dma source(%dma_start3A_22 : memref<8x128xf32, #tpu.memory_space<hbm>>) target(%arg6 : memref<8x128xf32, #tpu.memory_space<vmem>>) target_semaphore(%arg8 : memref<!tpu.dma_semaphore, #tpu.memory_space<semaphore_mem>>)
    %broadcast_in_dim3A = arith.constant 0.000000e+00 : f32
    %broadcast_in_dim3A_23 = vector.broadcast %broadcast_in_dim3A : f32 to vector<16xf32>
    %scan3A = arith.constant 0 : i32
    %scan3A_24 = arith.constant 0 : i32
    %scan3A_25 = arith.constant 256 : i32
    %scan3A_26 = arith.addi %scan3A_24, %scan3A_25 : i32
    %scan3A_27 = arith.constant 1 : i32
    scf.for %scan3A_59 = %scan3A_24 to %scan3A_26 step %scan3A_27  : i32 {
      %shift_right_arithmetic3A_60 = arith.constant 2 : i32
      %shift_right_arithmetic3A_61 = arith.shrsi %scan3A_59, %shift_right_arithmetic3A_60 : i32
      %and3A_62 = arith.constant 3 : i32
      %and3A_63 = arith.andi %scan3A_59, %and3A_62 : i32
      %mul3A_64 = arith.constant 256 : i32
      %mul3A_65 = arith.muli %and3A_63, %mul3A_64 : i32
      %add3A_66 = arith.constant 0 : i32
      %add3A_67 = arith.addi %mul3A_65, %add3A_66 : i32
      %swap3A = arith.index_cast %shift_right_arithmetic3A_61 : i32 to index
      %swap3A_68 = arith.index_cast %add3A_67 : i32 to index
      %swap3A_69 = tpu.vector_load %arg7[%swap3A, %swap3A_68] {strides = array<i32>} : memref<64x1024xf32, #tpu.memory_space<vmem>>, vector<16xf32>,
      tpu.vector_store %arg7[%swap3A, %swap3A_68], %broadcast_in_dim3A_23 {strides = array<i32>} : memref<64x1024xf32, #tpu.memory_space<vmem>>, vector<16xf32>,
      %add3A_70 = arith.constant 16 : i32
      %add3A_71 = arith.addi %mul3A_65, %add3A_70 : i32
      %swap3A_72 = arith.index_cast %shift_right_arithmetic3A_61 : i32 to index
      %swap3A_73 = arith.index_cast %add3A_71 : i32 to index
      %swap3A_74 = tpu.vector_load %arg7[%swap3A_72, %swap3A_73] {strides = array<i32>} : memref<64x1024xf32, #tpu.memory_space<vmem>>, vector<16xf32>,
      tpu.vector_store %arg7[%swap3A_72, %swap3A_73], %broadcast_in_dim3A_23 {strides = array<i32>} : memref<64x1024xf32, #tpu.memory_space<vmem>>, vector<16xf32>,
      %add3A_75 = arith.constant 32 : i32
      %add3A_76 = arith.addi %mul3A_65, %add3A_75 : i32
      %swap3A_77 = arith.index_cast %shift_right_arithmetic3A_61 : i32 to index
      %swap3A_78 = arith.index_cast %add3A_76 : i32 to index
      %swap3A_79 = tpu.vector_load %arg7[%swap3A_77, %swap3A_78] {strides = array<i32>} : memref<64x1024xf32, #tpu.memory_space<vmem>>, vector<16xf32>,
      tpu.vector_store %arg7[%swap3A_77, %swap3A_78], %broadcast_in_dim3A_23 {strides = array<i32>} : memref<64x1024xf32, #tpu.memory_space<vmem>>, vector<16xf32>,
      %add3A_80 = arith.constant 48 : i32
      %add3A_81 = arith.addi %mul3A_65, %add3A_80 : i32
      %swap3A_82 = arith.index_cast %shift_right_arithmetic3A_61 : i32 to index
      %swap3A_83 = arith.index_cast %add3A_81 : i32 to index
      %swap3A_84 = tpu.vector_load %arg7[%swap3A_82, %swap3A_83] {strides = array<i32>} : memref<64x1024xf32, #tpu.memory_space<vmem>>, vector<16xf32>,
      tpu.vector_store %arg7[%swap3A_82, %swap3A_83], %broadcast_in_dim3A_23 {strides = array<i32>} : memref<64x1024xf32, #tpu.memory_space<vmem>>, vector<16xf32>,
      %add3A_85 = arith.constant 64 : i32
      %add3A_86 = arith.addi %mul3A_65, %add3A_85 : i32
      %swap3A_87 = arith.index_cast %shift_right_arithmetic3A_61 : i32 to index
      %swap3A_88 = arith.index_cast %add3A_86 : i32 to index
      %swap3A_89 = tpu.vector_load %arg7[%swap3A_87, %swap3A_88] {strides = array<i32>} : memref<64x1024xf32, #tpu.memory_space<vmem>>, vector<16xf32>,
      tpu.vector_store %arg7[%swap3A_87, %swap3A_88], %broadcast_in_dim3A_23 {strides = array<i32>} : memref<64x1024xf32, #tpu.memory_space<vmem>>, vector<16xf32>,
      %add3A_90 = arith.constant 80 : i32
      %add3A_91 = arith.addi %mul3A_65, %add3A_90 : i32
      %swap3A_92 = arith.index_cast %shift_right_arithmetic3A_61 : i32 to index
      %swap3A_93 = arith.index_cast %add3A_91 : i32 to index
      %swap3A_94 = tpu.vector_load %arg7[%swap3A_92, %swap3A_93] {strides = array<i32>} : memref<64x1024xf32, #tpu.memory_space<vmem>>, vector<16xf32>,
      tpu.vector_store %arg7[%swap3A_92, %swap3A_93], %broadcast_in_dim3A_23 {strides = array<i32>} : memref<64x1024xf32, #tpu.memory_space<vmem>>, vector<16xf32>,
      %add3A_95 = arith.constant 96 : i32
      %add3A_96 = arith.addi %mul3A_65, %add3A_95 : i32
      %swap3A_97 = arith.index_cast %shift_right_arithmetic3A_61 : i32 to index
      %swap3A_98 = arith.index_cast %add3A_96 : i32 to index
      %swap3A_99 = tpu.vector_load %arg7[%swap3A_97, %swap3A_98] {strides = array<i32>} : memref<64x1024xf32, #tpu.memory_space<vmem>>, vector<16xf32>,
      tpu.vector_store %arg7[%swap3A_97, %swap3A_98], %broadcast_in_dim3A_23 {strides = array<i32>} : memref<64x1024xf32, #tpu.memory_space<vmem>>, vector<16xf32>,
      %add3A_100 = arith.constant 112 : i32
      %add3A_101 = arith.addi %mul3A_65, %add3A_100 : i32
      %swap3A_102 = arith.index_cast %shift_right_arithmetic3A_61 : i32 to index
      %swap3A_103 = arith.index_cast %add3A_101 : i32 to index
      %swap3A_104 = tpu.vector_load %arg7[%swap3A_102, %swap3A_103] {strides = array<i32>} : memref<64x1024xf32, #tpu.memory_space<vmem>>, vector<16xf32>,
      tpu.vector_store %arg7[%swap3A_102, %swap3A_103], %broadcast_in_dim3A_23 {strides = array<i32>} : memref<64x1024xf32, #tpu.memory_space<vmem>>, vector<16xf32>,
      %add3A_105 = arith.constant 128 : i32
      %add3A_106 = arith.addi %mul3A_65, %add3A_105 : i32
      %swap3A_107 = arith.index_cast %shift_right_arithmetic3A_61 : i32 to index
      %swap3A_108 = arith.index_cast %add3A_106 : i32 to index
      %swap3A_109 = tpu.vector_load %arg7[%swap3A_107, %swap3A_108] {strides = array<i32>} : memref<64x1024xf32, #tpu.memory_space<vmem>>, vector<16xf32>,
      tpu.vector_store %arg7[%swap3A_107, %swap3A_108], %broadcast_in_dim3A_23 {strides = array<i32>} : memref<64x1024xf32, #tpu.memory_space<vmem>>, vector<16xf32>,
      %add3A_110 = arith.constant 144 : i32
      %add3A_111 = arith.addi %mul3A_65, %add3A_110 : i32
      %swap3A_112 = arith.index_cast %shift_right_arithmetic3A_61 : i32 to index
      %swap3A_113 = arith.index_cast %add3A_111 : i32 to index
      %swap3A_114 = tpu.vector_load %arg7[%swap3A_112, %swap3A_113] {strides = array<i32>} : memref<64x1024xf32, #tpu.memory_space<vmem>>, vector<16xf32>,
      tpu.vector_store %arg7[%swap3A_112, %swap3A_113], %broadcast_in_dim3A_23 {strides = array<i32>} : memref<64x1024xf32, #tpu.memory_space<vmem>>, vector<16xf32>,
      %add3A_115 = arith.constant 160 : i32
      %add3A_116 = arith.addi %mul3A_65, %add3A_115 : i32
      %swap3A_117 = arith.index_cast %shift_right_arithmetic3A_61 : i32 to index
      %swap3A_118 = arith.index_cast %add3A_116 : i32 to index
      %swap3A_119 = tpu.vector_load %arg7[%swap3A_117, %swap3A_118] {strides = array<i32>} : memref<64x1024xf32, #tpu.memory_space<vmem>>, vector<16xf32>,
      tpu.vector_store %arg7[%swap3A_117, %swap3A_118], %broadcast_in_dim3A_23 {strides = array<i32>} : memref<64x1024xf32, #tpu.memory_space<vmem>>, vector<16xf32>,
      %add3A_120 = arith.constant 176 : i32
      %add3A_121 = arith.addi %mul3A_65, %add3A_120 : i32
      %swap3A_122 = arith.index_cast %shift_right_arithmetic3A_61 : i32 to index
      %swap3A_123 = arith.index_cast %add3A_121 : i32 to index
      %swap3A_124 = tpu.vector_load %arg7[%swap3A_122, %swap3A_123] {strides = array<i32>} : memref<64x1024xf32, #tpu.memory_space<vmem>>, vector<16xf32>,
      tpu.vector_store %arg7[%swap3A_122, %swap3A_123], %broadcast_in_dim3A_23 {strides = array<i32>} : memref<64x1024xf32, #tpu.memory_space<vmem>>, vector<16xf32>,
      %add3A_125 = arith.constant 192 : i32
      %add3A_126 = arith.addi %mul3A_65, %add3A_125 : i32
      %swap3A_127 = arith.index_cast %shift_right_arithmetic3A_61 : i32 to index
      %swap3A_128 = arith.index_cast %add3A_126 : i32 to index
      %swap3A_129 = tpu.vector_load %arg7[%swap3A_127, %swap3A_128] {strides = array<i32>} : memref<64x1024xf32, #tpu.memory_space<vmem>>, vector<16xf32>,
      tpu.vector_store %arg7[%swap3A_127, %swap3A_128], %broadcast_in_dim3A_23 {strides = array<i32>} : memref<64x1024xf32, #tpu.memory_space<vmem>>, vector<16xf32>,
      %add3A_130 = arith.constant 208 : i32
      %add3A_131 = arith.addi %mul3A_65, %add3A_130 : i32
      %swap3A_132 = arith.index_cast %shift_right_arithmetic3A_61 : i32 to index
      %swap3A_133 = arith.index_cast %add3A_131 : i32 to index
      %swap3A_134 = tpu.vector_load %arg7[%swap3A_132, %swap3A_133] {strides = array<i32>} : memref<64x1024xf32, #tpu.memory_space<vmem>>, vector<16xf32>,
      tpu.vector_store %arg7[%swap3A_132, %swap3A_133], %broadcast_in_dim3A_23 {strides = array<i32>} : memref<64x1024xf32, #tpu.memory_space<vmem>>, vector<16xf32>,
      %add3A_135 = arith.constant 224 : i32
      %add3A_136 = arith.addi %mul3A_65, %add3A_135 : i32
      %swap3A_137 = arith.index_cast %shift_right_arithmetic3A_61 : i32 to index
      %swap3A_138 = arith.index_cast %add3A_136 : i32 to index
      %swap3A_139 = tpu.vector_load %arg7[%swap3A_137, %swap3A_138] {strides = array<i32>} : memref<64x1024xf32, #tpu.memory_space<vmem>>, vector<16xf32>,
      tpu.vector_store %arg7[%swap3A_137, %swap3A_138], %broadcast_in_dim3A_23 {strides = array<i32>} : memref<64x1024xf32, #tpu.memory_space<vmem>>, vector<16xf32>,
      %add3A_140 = arith.constant 240 : i32
      %add3A_141 = arith.addi %mul3A_65, %add3A_140 : i32
      %swap3A_142 = arith.index_cast %shift_right_arithmetic3A_61 : i32 to index
      %swap3A_143 = arith.index_cast %add3A_141 : i32 to index
      %swap3A_144 = tpu.vector_load %arg7[%swap3A_142, %swap3A_143] {strides = array<i32>} : memref<64x1024xf32, #tpu.memory_space<vmem>>, vector<16xf32>,
      tpu.vector_store %arg7[%swap3A_142, %swap3A_143], %broadcast_in_dim3A_23 {strides = array<i32>} : memref<64x1024xf32, #tpu.memory_space<vmem>>, vector<16xf32>,
    }
    %scan3A_28 = arith.constant 256 : i32
    %dma_wait3A = arith.constant 0 : i32
    %dma_wait3A_29 = arith.constant 0 : i32
    %dma_wait3A_30 = tpu.memref_slice %arg2[%dma_wait3A, %mul3A_2, %dma_wait3A_29] : memref<3x256x128xf32, #tpu.memory_space<hbm>> -> memref<1x8x128xf32, #tpu.memory_space<hbm>>
    %dma_wait3A_31 = tpu.memref_squeeze %dma_wait3A_30 : memref<1x8x128xf32, #tpu.memory_space<hbm>> -> memref<8x128xf32, #tpu.memory_space<hbm>>
    %dma_wait3A_32 = arith.constant 0 : i32
    %dma_wait3A_33 = tpu.memref_slice %arg2[%dma_wait3A, %mul3A_2, %dma_wait3A_32] : memref<3x256x128xf32, #tpu.memory_space<hbm>> -> memref<1x8x128xf32, #tpu.memory_space<hbm>>
    %dma_wait3A_34 = tpu.memref_squeeze %dma_wait3A_33 : memref<1x8x128xf32, #tpu.memory_space<hbm>> -> memref<8x128xf32, #tpu.memory_space<hbm>>
    tpu.wait_dma2 semaphore(%arg8 : memref<!tpu.dma_semaphore, #tpu.memory_space<semaphore_mem>>) src(%dma_wait3A_34 : memref<8x128xf32, #tpu.memory_space<hbm>>) dst(%arg4 : memref<8x128xf32, #tpu.memory_space<vmem>>)
    %dma_wait3A_35 = arith.constant 1 : i32
    %dma_wait3A_36 = arith.constant 0 : i32
    %dma_wait3A_37 = tpu.memref_slice %arg2[%dma_wait3A_35, %mul3A_2, %dma_wait3A_36] : memref<3x256x128xf32, #tpu.memory_space<hbm>> -> memref<1x8x128xf32, #tpu.memory_space<hbm>>
    %dma_wait3A_38 = tpu.memref_squeeze %dma_wait3A_37 : memref<1x8x128xf32, #tpu.memory_space<hbm>> -> memref<8x128xf32, #tpu.memory_space<hbm>>
    %dma_wait3A_39 = arith.constant 0 : i32
    %dma_wait3A_40 = tpu.memref_slice %arg2[%dma_wait3A_35, %mul3A_2, %dma_wait3A_39] : memref<3x256x128xf32, #tpu.memory_space<hbm>> -> memref<1x8x128xf32, #tpu.memory_space<hbm>>
    %dma_wait3A_41 = tpu.memref_squeeze %dma_wait3A_40 : memref<1x8x128xf32, #tpu.memory_space<hbm>> -> memref<8x128xf32, #tpu.memory_space<hbm>>
    tpu.wait_dma2 semaphore(%arg8 : memref<!tpu.dma_semaphore, #tpu.memory_space<semaphore_mem>>) src(%dma_wait3A_41 : memref<8x128xf32, #tpu.memory_space<hbm>>) dst(%arg5 : memref<8x128xf32, #tpu.memory_space<vmem>>)
    %dma_wait3A_42 = arith.constant 2 : i32
    %dma_wait3A_43 = arith.constant 0 : i32
    %dma_wait3A_44 = tpu.memref_slice %arg2[%dma_wait3A_42, %mul3A_2, %dma_wait3A_43] : memref<3x256x128xf32, #tpu.memory_space<hbm>> -> memref<1x8x128xf32, #tpu.memory_space<hbm>>
    %dma_wait3A_45 = tpu.memref_squeeze %dma_wait3A_44 : memref<1x8x128xf32, #tpu.memory_space<hbm>> -> memref<8x128xf32, #tpu.memory_space<hbm>>
    %dma_wait3A_46 = arith.constant 0 : i32
    %dma_wait3A_47 = tpu.memref_slice %arg2[%dma_wait3A_42, %mul3A_2, %dma_wait3A_46] : memref<3x256x128xf32, #tpu.memory_space<hbm>> -> memref<1x8x128xf32, #tpu.memory_space<hbm>>
    %dma_wait3A_48 = tpu.memref_squeeze %dma_wait3A_47 : memref<1x8x128xf32, #tpu.memory_space<hbm>> -> memref<8x128xf32, #tpu.memory_space<hbm>>
    tpu.wait_dma2 semaphore(%arg8 : memref<!tpu.dma_semaphore, #tpu.memory_space<semaphore_mem>>) src(%dma_wait3A_48 : memref<8x128xf32, #tpu.memory_space<hbm>>) dst(%arg6 : memref<8x128xf32, #tpu.memory_space<vmem>>)
    %iota3A = tpu.iota {dimensions = array<i32: 0>} : vector<16xi32>
    %scan3A_49 = arith.constant 0 : i32
    %scan3A_50 = arith.constant 0 : i32
    %scan3A_51 = arith.constant 64 : i32
    %scan3A_52 = arith.addi %scan3A_50, %scan3A_51 : i32
    %scan3A_53 = arith.constant 1 : i32
    scf.for %scan3A_59 = %scan3A_50 to %scan3A_52 step %scan3A_53  : i32 {
      %shift_right_arithmetic3A_60 = arith.constant 3 : i32
      %shift_right_arithmetic3A_61 = arith.shrsi %scan3A_59, %shift_right_arithmetic3A_60 : i32
      %and3A_62 = arith.constant 7 : i32
      %and3A_63 = arith.andi %scan3A_59, %and3A_62 : i32
      %mul3A_64 = arith.constant 16 : i32
      %mul3A_65 = arith.muli %and3A_63, %mul3A_64 : i32
      %mul3A_66 = arith.constant 16 : i32
      %mul3A_67 = arith.muli %scan3A_59, %mul3A_66 : i32
      %add3A_68 = vector.broadcast %mul3A_67 : i32 to vector<16xi32>
      %add3A_69 = arith.addi %add3A_68, %iota3A : vector<16xi32>
      %get3A = arith.index_cast %shift_right_arithmetic3A_61 : i32 to index
      %get3A_70 = arith.index_cast %mul3A_65 : i32 to index
      %get3A_71 = tpu.vector_load %arg4[%get3A, %get3A_70] {strides = array<i32>} : memref<8x128xf32, #tpu.memory_space<vmem>>, vector<16xf32>,
      %convert_element_type3A = arith.fptosi %get3A_71 : vector<16xf32> to vector<16xi32>
      %jit3A = arith.constant 0 : i32
      %jit3A_72 = arith.constant 63 : i32
      %max3A = vector.broadcast %jit3A : i32 to vector<16xi32>
      %max3A_73 = arith.maxsi %max3A, %convert_element_type3A : vector<16xi32>
      %min3A = vector.broadcast %jit3A_72 : i32 to vector<16xi32>
      %min3A_74 = arith.minsi %min3A, %max3A_73 : vector<16xi32>
      %eq3A = arith.constant 63 : i32
      %eq3A_75 = vector.broadcast %eq3A : i32 to vector<16xi32>
      %eq3A_76 = arith.cmpi eq, %min3A_74, %eq3A_75 : vector<16xi32>
      %add3A_77 = arith.constant 1 : i32
      %add3A_78 = vector.broadcast %add3A_77 : i32 to vector<16xi32>
      %add3A_79 = arith.addi %min3A_74, %add3A_78 : vector<16xi32>
      %jit3A_80 = arith.constant 0 : i32
      %broadcast_in_dim3A_81 = vector.broadcast %jit3A_80 : i32 to vector<16xi32>
      %select_n3A = arith.select %eq3A_76, %broadcast_in_dim3A_81, %add3A_79 : vector<16xi1>, vector<16xi32>
      %get3A_82 = arith.index_cast %shift_right_arithmetic3A_61 : i32 to index
      %get3A_83 = arith.index_cast %mul3A_65 : i32 to index
      %get3A_84 = tpu.vector_load %arg5[%get3A_82, %get3A_83] {strides = array<i32>} : memref<8x128xf32, #tpu.memory_space<vmem>>, vector<16xf32>,
      %get3A_85 = arith.index_cast %shift_right_arithmetic3A_61 : i32 to index
      %get3A_86 = arith.index_cast %mul3A_65 : i32 to index
      %get3A_87 = tpu.vector_load %arg6[%get3A_85, %get3A_86] {strides = array<i32>} : memref<8x128xf32, #tpu.memory_space<vmem>>, vector<16xf32>,
      tpu.vector_store_idx %arg7[%min3A_74, %add3A_69], %get3A_84 : memref<64x1024xf32, #tpu.memory_space<vmem>>[vector<16xi32>, vector<16xi32>], vector<16xf32>,
      tpu.vector_store_idx %arg7[%select_n3A, %add3A_69], %get3A_87 : memref<64x1024xf32, #tpu.memory_space<vmem>>[vector<16xi32>, vector<16xi32>], vector<16xf32>,
    }
    %scan3A_54 = arith.constant 64 : i32
    %shift_right_arithmetic3A = arith.constant 3 : i32
    %shift_right_arithmetic3A_55 = arith.shrsi %add3A, %shift_right_arithmetic3A : i32
    %and3A = arith.constant 7 : i32
    %and3A_56 = arith.andi %add3A, %and3A : i32
    %mul3A_57 = arith.constant 1024 : i32
    %mul3A_58 = arith.muli %and3A_56, %mul3A_57 : i32
    "tpu.region"() ({
      %run_scoped3A = tpu.sem_alloc : memref<!tpu.dma_semaphore, #tpu.memory_space<semaphore_mem>>
      %dma_start3A_59 = arith.constant 0 : i32
      %dma_start3A_60 = tpu.memref_slice %arg3[%shift_right_arithmetic3A_55, %dma_start3A_59, %mul3A_58] : memref<4x64x8192xf32, #tpu.memory_space<hbm>> -> memref<1x64x1024xf32, #tpu.memory_space<hbm>>
      %dma_start3A_61 = tpu.memref_squeeze %dma_start3A_60 : memref<1x64x1024xf32, #tpu.memory_space<hbm>> -> memref<64x1024xf32, #tpu.memory_space<hbm>>
      %dma_start3A_62 = arith.constant 0 : i32
      %dma_start3A_63 = tpu.memref_slice %arg3[%shift_right_arithmetic3A_55, %dma_start3A_62, %mul3A_58] : memref<4x64x8192xf32, #tpu.memory_space<hbm>> -> memref<1x64x1024xf32, #tpu.memory_space<hbm>>
      %dma_start3A_64 = tpu.memref_squeeze %dma_start3A_63 : memref<1x64x1024xf32, #tpu.memory_space<hbm>> -> memref<64x1024xf32, #tpu.memory_space<hbm>>
      tpu.enqueue_dma source(%arg7 : memref<64x1024xf32, #tpu.memory_space<vmem>>) target(%dma_start3A_64 : memref<64x1024xf32, #tpu.memory_space<hbm>>) target_semaphore(%run_scoped3A : memref<!tpu.dma_semaphore, #tpu.memory_space<semaphore_mem>>)
      %dma_wait3A_65 = arith.constant 0 : i32
      %dma_wait3A_66 = tpu.memref_slice %arg3[%shift_right_arithmetic3A_55, %dma_wait3A_65, %mul3A_58] : memref<4x64x8192xf32, #tpu.memory_space<hbm>> -> memref<1x64x1024xf32, #tpu.memory_space<hbm>>
      %dma_wait3A_67 = tpu.memref_squeeze %dma_wait3A_66 : memref<1x64x1024xf32, #tpu.memory_space<hbm>> -> memref<64x1024xf32, #tpu.memory_space<hbm>>
      %dma_wait3A_68 = arith.constant 0 : i32
      %dma_wait3A_69 = tpu.memref_slice %arg3[%shift_right_arithmetic3A_55, %dma_wait3A_68, %mul3A_58] : memref<4x64x8192xf32, #tpu.memory_space<hbm>> -> memref<1x64x1024xf32, #tpu.memory_space<hbm>>
      %dma_wait3A_70 = tpu.memref_squeeze %dma_wait3A_69 : memref<1x64x1024xf32, #tpu.memory_space<hbm>> -> memref<64x1024xf32, #tpu.memory_space<hbm>>
      tpu.wait_dma2 semaphore(%run_scoped3A : memref<!tpu.dma_semaphore, #tpu.memory_space<semaphore_mem>>) src(%arg7 : memref<64x1024xf32, #tpu.memory_space<vmem>>) dst(%dma_wait3A_70 : memref<64x1024xf32, #tpu.memory_space<hbm>>)
      tpu.yield
    }) : () -> ()
    return
  }
}

module attributes {stable_mosaic.version = 14 : i64} {
  func.func @_stage1_body(%arg0: memref<2x256x128xf32, #tpu.memory_space<vmem>>, %arg1: memref<3x256x128xf32, #tpu.memory_space<vmem>>) attributes {dimension_semantics = [], scalar_prefetch = 0 : i64, scratch_operands = 0 : i64, tpu.core_type = #tpu.core_type<tc>} {
    %get3A = arith.constant 0 : index
    %get3A_0 = arith.constant 0 : index
    %get3A_1 = arith.constant 0 : index
    %get3A_2 = vector.load %arg0[%get3A, %get3A_0, %get3A_1] : memref<2x256x128xf32, #tpu.memory_space<vmem>>, vector<1x256x128xf32>
    %get3A_3 = vector.shape_cast %get3A_2 : vector<1x256x128xf32> to vector<256x128xf32>
    %get3A_4 = arith.constant 1 : index
    %get3A_5 = arith.constant 0 : index
    %get3A_6 = arith.constant 0 : index
    %get3A_7 = vector.load %arg0[%get3A_4, %get3A_5, %get3A_6] : memref<2x256x128xf32, #tpu.memory_space<vmem>>, vector<1x256x128xf32>
    %get3A_8 = vector.shape_cast %get3A_7 : vector<1x256x128xf32> to vector<256x128xf32>
    %mul3A = arith.mulf %get3A_3, %get3A_3 : vector<256x128xf32>
    %mul3A_9 = arith.mulf %get3A_8, %get3A_8 : vector<256x128xf32>
    %add3A = arith.addf %mul3A, %mul3A_9 : vector<256x128xf32>
    %bitcast_convert_type3A = tpu.bitcast %add3A : vector<256x128xf32> -> vector<256x128xi32>
    %broadcast_in_dim3A = arith.constant 2.949200e+04 : f32
    %broadcast_in_dim3A_10 = vector.broadcast %broadcast_in_dim3A : f32 to vector<1x1xf32>
    %broadcast_in_dim3A_11 = arith.constant 1073741824 : i32
    %broadcast_in_dim3A_12 = vector.broadcast %broadcast_in_dim3A_11 : i32 to vector<1x1xi32>
    %lt3A = vector.broadcast %broadcast_in_dim3A_12 : vector<1x1xi32> to vector<256x128xi32>
    %lt3A_13 = arith.cmpi slt, %bitcast_convert_type3A, %lt3A : vector<256x128xi32>
    %convert_element_type3A = arith.extui %lt3A_13 : vector<256x128xi1> to vector<256x128xi32>
    %convert_element_type3A_14 = arith.sitofp %convert_element_type3A : vector<256x128xi32> to vector<256x128xf32>
    %reduce_sum3A = vector.shape_cast %convert_element_type3A_14 : vector<256x128xf32> to vector<1x256x128xf32>
    %reduce_sum3A_15 = arith.constant dense<0.000000e+00> : vector<1xf32>
    %reduce_sum3A_16 = vector.multi_reduction <add>, %reduce_sum3A, %reduce_sum3A_15 [1, 2] : vector<1x256x128xf32> to vector<1xf32>
    %reduce_sum3A_17 = vector.shape_cast %reduce_sum3A_16 : vector<1xf32> to vector<1x1x1xf32>
    %reduce_sum3A_18 = vector.extract %reduce_sum3A_17[0, 0, 0] : f32 from vector<1x1x1xf32>
    %broadcast_in_dim3A_19 = vector.broadcast %reduce_sum3A_18 : f32 to vector<1x1xf32>
    %ge3A = arith.cmpf oge, %broadcast_in_dim3A_19, %broadcast_in_dim3A_10 : vector<1x1xf32>
    %broadcast_in_dim3A_20 = arith.constant 0 : i32
    %broadcast_in_dim3A_21 = vector.broadcast %broadcast_in_dim3A_20 : i32 to vector<1x1xi32>
    %select_n3A = arith.select %ge3A, %broadcast_in_dim3A_21, %broadcast_in_dim3A_12 : vector<1x1xi1>, vector<1x1xi32>
    %add3A_22 = arith.constant 268435456 : i32
    %add3A_23 = vector.broadcast %add3A_22 : i32 to vector<1x1xi32>
    %add3A_24 = arith.addi %select_n3A, %add3A_23 : vector<1x1xi32>
    %lt3A_25 = vector.broadcast %add3A_24 : vector<1x1xi32> to vector<256x128xi32>
    %lt3A_26 = arith.cmpi slt, %bitcast_convert_type3A, %lt3A_25 : vector<256x128xi32>
    %convert_element_type3A_27 = arith.extui %lt3A_26 : vector<256x128xi1> to vector<256x128xi32>
    %convert_element_type3A_28 = arith.sitofp %convert_element_type3A_27 : vector<256x128xi32> to vector<256x128xf32>
    %reduce_sum3A_29 = vector.shape_cast %convert_element_type3A_28 : vector<256x128xf32> to vector<1x256x128xf32>
    %reduce_sum3A_30 = arith.constant dense<0.000000e+00> : vector<1xf32>
    %reduce_sum3A_31 = vector.multi_reduction <add>, %reduce_sum3A_29, %reduce_sum3A_30 [1, 2] : vector<1x256x128xf32> to vector<1xf32>
    %reduce_sum3A_32 = vector.shape_cast %reduce_sum3A_31 : vector<1xf32> to vector<1x1x1xf32>
    %reduce_sum3A_33 = vector.extract %reduce_sum3A_32[0, 0, 0] : f32 from vector<1x1x1xf32>
    %broadcast_in_dim3A_34 = vector.broadcast %reduce_sum3A_33 : f32 to vector<1x1xf32>
    %add3A_35 = arith.constant 536870912 : i32
    %add3A_36 = vector.broadcast %add3A_35 : i32 to vector<1x1xi32>
    %add3A_37 = arith.addi %select_n3A, %add3A_36 : vector<1x1xi32>
    %lt3A_38 = vector.broadcast %add3A_37 : vector<1x1xi32> to vector<256x128xi32>
    %lt3A_39 = arith.cmpi slt, %bitcast_convert_type3A, %lt3A_38 : vector<256x128xi32>
    %convert_element_type3A_40 = arith.extui %lt3A_39 : vector<256x128xi1> to vector<256x128xi32>
    %convert_element_type3A_41 = arith.sitofp %convert_element_type3A_40 : vector<256x128xi32> to vector<256x128xf32>
    %reduce_sum3A_42 = vector.shape_cast %convert_element_type3A_41 : vector<256x128xf32> to vector<1x256x128xf32>
    %reduce_sum3A_43 = arith.constant dense<0.000000e+00> : vector<1xf32>
    %reduce_sum3A_44 = vector.multi_reduction <add>, %reduce_sum3A_42, %reduce_sum3A_43 [1, 2] : vector<1x256x128xf32> to vector<1xf32>
    %reduce_sum3A_45 = vector.shape_cast %reduce_sum3A_44 : vector<1xf32> to vector<1x1x1xf32>
    %reduce_sum3A_46 = vector.extract %reduce_sum3A_45[0, 0, 0] : f32 from vector<1x1x1xf32>
    %broadcast_in_dim3A_47 = vector.broadcast %reduce_sum3A_46 : f32 to vector<1x1xf32>
    %add3A_48 = arith.constant 805306368 : i32
    %add3A_49 = vector.broadcast %add3A_48 : i32 to vector<1x1xi32>
    %add3A_50 = arith.addi %select_n3A, %add3A_49 : vector<1x1xi32>
    %lt3A_51 = vector.broadcast %add3A_50 : vector<1x1xi32> to vector<256x128xi32>
    %lt3A_52 = arith.cmpi slt, %bitcast_convert_type3A, %lt3A_51 : vector<256x128xi32>
    %convert_element_type3A_53 = arith.extui %lt3A_52 : vector<256x128xi1> to vector<256x128xi32>
    %convert_element_type3A_54 = arith.sitofp %convert_element_type3A_53 : vector<256x128xi32> to vector<256x128xf32>
    %reduce_sum3A_55 = vector.shape_cast %convert_element_type3A_54 : vector<256x128xf32> to vector<1x256x128xf32>
    %reduce_sum3A_56 = arith.constant dense<0.000000e+00> : vector<1xf32>
    %reduce_sum3A_57 = vector.multi_reduction <add>, %reduce_sum3A_55, %reduce_sum3A_56 [1, 2] : vector<1x256x128xf32> to vector<1xf32>
    %reduce_sum3A_58 = vector.shape_cast %reduce_sum3A_57 : vector<1xf32> to vector<1x1x1xf32>
    %reduce_sum3A_59 = vector.extract %reduce_sum3A_58[0, 0, 0] : f32 from vector<1x1x1xf32>
    %broadcast_in_dim3A_60 = vector.broadcast %reduce_sum3A_59 : f32 to vector<1x1xf32>
    %lt3A_61 = arith.cmpf olt, %broadcast_in_dim3A_34, %broadcast_in_dim3A_10 : vector<1x1xf32>
    %convert_element_type3A_62 = arith.extui %lt3A_61 : vector<1x1xi1> to vector<1x1xi32>
    %lt3A_63 = arith.cmpf olt, %broadcast_in_dim3A_47, %broadcast_in_dim3A_10 : vector<1x1xf32>
    %convert_element_type3A_64 = arith.extui %lt3A_63 : vector<1x1xi1> to vector<1x1xi32>
    %add3A_65 = arith.addi %convert_element_type3A_62, %convert_element_type3A_64 : vector<1x1xi32>
    %lt3A_66 = arith.cmpf olt, %broadcast_in_dim3A_60, %broadcast_in_dim3A_10 : vector<1x1xf32>
    %convert_element_type3A_67 = arith.extui %lt3A_66 : vector<1x1xi1> to vector<1x1xi32>
    %add3A_68 = arith.addi %add3A_65, %convert_element_type3A_67 : vector<1x1xi32>
    %mul3A_69 = arith.constant 268435456 : i32
    %mul3A_70 = vector.broadcast %mul3A_69 : i32 to vector<1x1xi32>
    %mul3A_71 = arith.muli %add3A_68, %mul3A_70 : vector<1x1xi32>
    %add3A_72 = arith.addi %select_n3A, %mul3A_71 : vector<1x1xi32>
    %add3A_73 = arith.constant 67108864 : i32
    %add3A_74 = vector.broadcast %add3A_73 : i32 to vector<1x1xi32>
    %add3A_75 = arith.addi %add3A_72, %add3A_74 : vector<1x1xi32>
    %lt3A_76 = vector.broadcast %add3A_75 : vector<1x1xi32> to vector<256x128xi32>
    %lt3A_77 = arith.cmpi slt, %bitcast_convert_type3A, %lt3A_76 : vector<256x128xi32>
    %convert_element_type3A_78 = arith.extui %lt3A_77 : vector<256x128xi1> to vector<256x128xi32>
    %convert_element_type3A_79 = arith.sitofp %convert_element_type3A_78 : vector<256x128xi32> to vector<256x128xf32>
    %reduce_sum3A_80 = vector.shape_cast %convert_element_type3A_79 : vector<256x128xf32> to vector<1x256x128xf32>
    %reduce_sum3A_81 = arith.constant dense<0.000000e+00> : vector<1xf32>
    %reduce_sum3A_82 = vector.multi_reduction <add>, %reduce_sum3A_80, %reduce_sum3A_81 [1, 2] : vector<1x256x128xf32> to vector<1xf32>
    %reduce_sum3A_83 = vector.shape_cast %reduce_sum3A_82 : vector<1xf32> to vector<1x1x1xf32>
    %reduce_sum3A_84 = vector.extract %reduce_sum3A_83[0, 0, 0] : f32 from vector<1x1x1xf32>
    %broadcast_in_dim3A_85 = vector.broadcast %reduce_sum3A_84 : f32 to vector<1x1xf32>
    %add3A_86 = arith.constant 134217728 : i32
    %add3A_87 = vector.broadcast %add3A_86 : i32 to vector<1x1xi32>
    %add3A_88 = arith.addi %add3A_72, %add3A_87 : vector<1x1xi32>
    %lt3A_89 = vector.broadcast %add3A_88 : vector<1x1xi32> to vector<256x128xi32>
    %lt3A_90 = arith.cmpi slt, %bitcast_convert_type3A, %lt3A_89 : vector<256x128xi32>
    %convert_element_type3A_91 = arith.extui %lt3A_90 : vector<256x128xi1> to vector<256x128xi32>
    %convert_element_type3A_92 = arith.sitofp %convert_element_type3A_91 : vector<256x128xi32> to vector<256x128xf32>
    %reduce_sum3A_93 = vector.shape_cast %convert_element_type3A_92 : vector<256x128xf32> to vector<1x256x128xf32>
    %reduce_sum3A_94 = arith.constant dense<0.000000e+00> : vector<1xf32>
    %reduce_sum3A_95 = vector.multi_reduction <add>, %reduce_sum3A_93, %reduce_sum3A_94 [1, 2] : vector<1x256x128xf32> to vector<1xf32>
    %reduce_sum3A_96 = vector.shape_cast %reduce_sum3A_95 : vector<1xf32> to vector<1x1x1xf32>
    %reduce_sum3A_97 = vector.extract %reduce_sum3A_96[0, 0, 0] : f32 from vector<1x1x1xf32>
    %broadcast_in_dim3A_98 = vector.broadcast %reduce_sum3A_97 : f32 to vector<1x1xf32>
    %add3A_99 = arith.constant 201326592 : i32
    %add3A_100 = vector.broadcast %add3A_99 : i32 to vector<1x1xi32>
    %add3A_101 = arith.addi %add3A_72, %add3A_100 : vector<1x1xi32>
    %lt3A_102 = vector.broadcast %add3A_101 : vector<1x1xi32> to vector<256x128xi32>
    %lt3A_103 = arith.cmpi slt, %bitcast_convert_type3A, %lt3A_102 : vector<256x128xi32>
    %convert_element_type3A_104 = arith.extui %lt3A_103 : vector<256x128xi1> to vector<256x128xi32>
    %convert_element_type3A_105 = arith.sitofp %convert_element_type3A_104 : vector<256x128xi32> to vector<256x128xf32>
    %reduce_sum3A_106 = vector.shape_cast %convert_element_type3A_105 : vector<256x128xf32> to vector<1x256x128xf32>
    %reduce_sum3A_107 = arith.constant dense<0.000000e+00> : vector<1xf32>
    %reduce_sum3A_108 = vector.multi_reduction <add>, %reduce_sum3A_106, %reduce_sum3A_107 [1, 2] : vector<1x256x128xf32> to vector<1xf32>
    %reduce_sum3A_109 = vector.shape_cast %reduce_sum3A_108 : vector<1xf32> to vector<1x1x1xf32>
    %reduce_sum3A_110 = vector.extract %reduce_sum3A_109[0, 0, 0] : f32 from vector<1x1x1xf32>
    %broadcast_in_dim3A_111 = vector.broadcast %reduce_sum3A_110 : f32 to vector<1x1xf32>
    %lt3A_112 = arith.cmpf olt, %broadcast_in_dim3A_85, %broadcast_in_dim3A_10 : vector<1x1xf32>
    %convert_element_type3A_113 = arith.extui %lt3A_112 : vector<1x1xi1> to vector<1x1xi32>
    %lt3A_114 = arith.cmpf olt, %broadcast_in_dim3A_98, %broadcast_in_dim3A_10 : vector<1x1xf32>
    %convert_element_type3A_115 = arith.extui %lt3A_114 : vector<1x1xi1> to vector<1x1xi32>
    %add3A_116 = arith.addi %convert_element_type3A_113, %convert_element_type3A_115 : vector<1x1xi32>
    %lt3A_117 = arith.cmpf olt, %broadcast_in_dim3A_111, %broadcast_in_dim3A_10 : vector<1x1xf32>
    %convert_element_type3A_118 = arith.extui %lt3A_117 : vector<1x1xi1> to vector<1x1xi32>
    %add3A_119 = arith.addi %add3A_116, %convert_element_type3A_118 : vector<1x1xi32>
    %mul3A_120 = arith.constant 67108864 : i32
    %mul3A_121 = vector.broadcast %mul3A_120 : i32 to vector<1x1xi32>
    %mul3A_122 = arith.muli %add3A_119, %mul3A_121 : vector<1x1xi32>
    %add3A_123 = arith.addi %add3A_72, %mul3A_122 : vector<1x1xi32>
    %add3A_124 = arith.constant 16777216 : i32
    %add3A_125 = vector.broadcast %add3A_124 : i32 to vector<1x1xi32>
    %add3A_126 = arith.addi %add3A_123, %add3A_125 : vector<1x1xi32>
    %lt3A_127 = vector.broadcast %add3A_126 : vector<1x1xi32> to vector<256x128xi32>
    %lt3A_128 = arith.cmpi slt, %bitcast_convert_type3A, %lt3A_127 : vector<256x128xi32>
    %convert_element_type3A_129 = arith.extui %lt3A_128 : vector<256x128xi1> to vector<256x128xi32>
    %convert_element_type3A_130 = arith.sitofp %convert_element_type3A_129 : vector<256x128xi32> to vector<256x128xf32>
    %reduce_sum3A_131 = vector.shape_cast %convert_element_type3A_130 : vector<256x128xf32> to vector<1x256x128xf32>
    %reduce_sum3A_132 = arith.constant dense<0.000000e+00> : vector<1xf32>
    %reduce_sum3A_133 = vector.multi_reduction <add>, %reduce_sum3A_131, %reduce_sum3A_132 [1, 2] : vector<1x256x128xf32> to vector<1xf32>
    %reduce_sum3A_134 = vector.shape_cast %reduce_sum3A_133 : vector<1xf32> to vector<1x1x1xf32>
    %reduce_sum3A_135 = vector.extract %reduce_sum3A_134[0, 0, 0] : f32 from vector<1x1x1xf32>
    %broadcast_in_dim3A_136 = vector.broadcast %reduce_sum3A_135 : f32 to vector<1x1xf32>
    %add3A_137 = arith.constant 33554432 : i32
    %add3A_138 = vector.broadcast %add3A_137 : i32 to vector<1x1xi32>
    %add3A_139 = arith.addi %add3A_123, %add3A_138 : vector<1x1xi32>
    %lt3A_140 = vector.broadcast %add3A_139 : vector<1x1xi32> to vector<256x128xi32>
    %lt3A_141 = arith.cmpi slt, %bitcast_convert_type3A, %lt3A_140 : vector<256x128xi32>
    %convert_element_type3A_142 = arith.extui %lt3A_141 : vector<256x128xi1> to vector<256x128xi32>
    %convert_element_type3A_143 = arith.sitofp %convert_element_type3A_142 : vector<256x128xi32> to vector<256x128xf32>
    %reduce_sum3A_144 = vector.shape_cast %convert_element_type3A_143 : vector<256x128xf32> to vector<1x256x128xf32>
    %reduce_sum3A_145 = arith.constant dense<0.000000e+00> : vector<1xf32>
    %reduce_sum3A_146 = vector.multi_reduction <add>, %reduce_sum3A_144, %reduce_sum3A_145 [1, 2] : vector<1x256x128xf32> to vector<1xf32>
    %reduce_sum3A_147 = vector.shape_cast %reduce_sum3A_146 : vector<1xf32> to vector<1x1x1xf32>
    %reduce_sum3A_148 = vector.extract %reduce_sum3A_147[0, 0, 0] : f32 from vector<1x1x1xf32>
    %broadcast_in_dim3A_149 = vector.broadcast %reduce_sum3A_148 : f32 to vector<1x1xf32>
    %add3A_150 = arith.constant 50331648 : i32
    %add3A_151 = vector.broadcast %add3A_150 : i32 to vector<1x1xi32>
    %add3A_152 = arith.addi %add3A_123, %add3A_151 : vector<1x1xi32>
    %lt3A_153 = vector.broadcast %add3A_152 : vector<1x1xi32> to vector<256x128xi32>
    %lt3A_154 = arith.cmpi slt, %bitcast_convert_type3A, %lt3A_153 : vector<256x128xi32>
    %convert_element_type3A_155 = arith.extui %lt3A_154 : vector<256x128xi1> to vector<256x128xi32>
    %convert_element_type3A_156 = arith.sitofp %convert_element_type3A_155 : vector<256x128xi32> to vector<256x128xf32>
    %reduce_sum3A_157 = vector.shape_cast %convert_element_type3A_156 : vector<256x128xf32> to vector<1x256x128xf32>
    %reduce_sum3A_158 = arith.constant dense<0.000000e+00> : vector<1xf32>
    %reduce_sum3A_159 = vector.multi_reduction <add>, %reduce_sum3A_157, %reduce_sum3A_158 [1, 2] : vector<1x256x128xf32> to vector<1xf32>
    %reduce_sum3A_160 = vector.shape_cast %reduce_sum3A_159 : vector<1xf32> to vector<1x1x1xf32>
    %reduce_sum3A_161 = vector.extract %reduce_sum3A_160[0, 0, 0] : f32 from vector<1x1x1xf32>
    %broadcast_in_dim3A_162 = vector.broadcast %reduce_sum3A_161 : f32 to vector<1x1xf32>
    %lt3A_163 = arith.cmpf olt, %broadcast_in_dim3A_136, %broadcast_in_dim3A_10 : vector<1x1xf32>
    %convert_element_type3A_164 = arith.extui %lt3A_163 : vector<1x1xi1> to vector<1x1xi32>
    %lt3A_165 = arith.cmpf olt, %broadcast_in_dim3A_149, %broadcast_in_dim3A_10 : vector<1x1xf32>
    %convert_element_type3A_166 = arith.extui %lt3A_165 : vector<1x1xi1> to vector<1x1xi32>
    %add3A_167 = arith.addi %convert_element_type3A_164, %convert_element_type3A_166 : vector<1x1xi32>
    %lt3A_168 = arith.cmpf olt, %broadcast_in_dim3A_162, %broadcast_in_dim3A_10 : vector<1x1xf32>
    %convert_element_type3A_169 = arith.extui %lt3A_168 : vector<1x1xi1> to vector<1x1xi32>
    %add3A_170 = arith.addi %add3A_167, %convert_element_type3A_169 : vector<1x1xi32>
    %mul3A_171 = arith.constant 16777216 : i32
    %mul3A_172 = vector.broadcast %mul3A_171 : i32 to vector<1x1xi32>
    %mul3A_173 = arith.muli %add3A_170, %mul3A_172 : vector<1x1xi32>
    %add3A_174 = arith.addi %add3A_123, %mul3A_173 : vector<1x1xi32>
    %add3A_175 = arith.constant 4194304 : i32
    %add3A_176 = vector.broadcast %add3A_175 : i32 to vector<1x1xi32>
    %add3A_177 = arith.addi %add3A_174, %add3A_176 : vector<1x1xi32>
    %lt3A_178 = vector.broadcast %add3A_177 : vector<1x1xi32> to vector<256x128xi32>
    %lt3A_179 = arith.cmpi slt, %bitcast_convert_type3A, %lt3A_178 : vector<256x128xi32>
    %convert_element_type3A_180 = arith.extui %lt3A_179 : vector<256x128xi1> to vector<256x128xi32>
    %convert_element_type3A_181 = arith.sitofp %convert_element_type3A_180 : vector<256x128xi32> to vector<256x128xf32>
    %reduce_sum3A_182 = vector.shape_cast %convert_element_type3A_181 : vector<256x128xf32> to vector<1x256x128xf32>
    %reduce_sum3A_183 = arith.constant dense<0.000000e+00> : vector<1xf32>
    %reduce_sum3A_184 = vector.multi_reduction <add>, %reduce_sum3A_182, %reduce_sum3A_183 [1, 2] : vector<1x256x128xf32> to vector<1xf32>
    %reduce_sum3A_185 = vector.shape_cast %reduce_sum3A_184 : vector<1xf32> to vector<1x1x1xf32>
    %reduce_sum3A_186 = vector.extract %reduce_sum3A_185[0, 0, 0] : f32 from vector<1x1x1xf32>
    %broadcast_in_dim3A_187 = vector.broadcast %reduce_sum3A_186 : f32 to vector<1x1xf32>
    %add3A_188 = arith.constant 8388608 : i32
    %add3A_189 = vector.broadcast %add3A_188 : i32 to vector<1x1xi32>
    %add3A_190 = arith.addi %add3A_174, %add3A_189 : vector<1x1xi32>
    %lt3A_191 = vector.broadcast %add3A_190 : vector<1x1xi32> to vector<256x128xi32>
    %lt3A_192 = arith.cmpi slt, %bitcast_convert_type3A, %lt3A_191 : vector<256x128xi32>
    %convert_element_type3A_193 = arith.extui %lt3A_192 : vector<256x128xi1> to vector<256x128xi32>
    %convert_element_type3A_194 = arith.sitofp %convert_element_type3A_193 : vector<256x128xi32> to vector<256x128xf32>
    %reduce_sum3A_195 = vector.shape_cast %convert_element_type3A_194 : vector<256x128xf32> to vector<1x256x128xf32>
    %reduce_sum3A_196 = arith.constant dense<0.000000e+00> : vector<1xf32>
    %reduce_sum3A_197 = vector.multi_reduction <add>, %reduce_sum3A_195, %reduce_sum3A_196 [1, 2] : vector<1x256x128xf32> to vector<1xf32>
    %reduce_sum3A_198 = vector.shape_cast %reduce_sum3A_197 : vector<1xf32> to vector<1x1x1xf32>
    %reduce_sum3A_199 = vector.extract %reduce_sum3A_198[0, 0, 0] : f32 from vector<1x1x1xf32>
    %broadcast_in_dim3A_200 = vector.broadcast %reduce_sum3A_199 : f32 to vector<1x1xf32>
    %add3A_201 = arith.constant 12582912 : i32
    %add3A_202 = vector.broadcast %add3A_201 : i32 to vector<1x1xi32>
    %add3A_203 = arith.addi %add3A_174, %add3A_202 : vector<1x1xi32>
    %lt3A_204 = vector.broadcast %add3A_203 : vector<1x1xi32> to vector<256x128xi32>
    %lt3A_205 = arith.cmpi slt, %bitcast_convert_type3A, %lt3A_204 : vector<256x128xi32>
    %convert_element_type3A_206 = arith.extui %lt3A_205 : vector<256x128xi1> to vector<256x128xi32>
    %convert_element_type3A_207 = arith.sitofp %convert_element_type3A_206 : vector<256x128xi32> to vector<256x128xf32>
    %reduce_sum3A_208 = vector.shape_cast %convert_element_type3A_207 : vector<256x128xf32> to vector<1x256x128xf32>
    %reduce_sum3A_209 = arith.constant dense<0.000000e+00> : vector<1xf32>
    %reduce_sum3A_210 = vector.multi_reduction <add>, %reduce_sum3A_208, %reduce_sum3A_209 [1, 2] : vector<1x256x128xf32> to vector<1xf32>
    %reduce_sum3A_211 = vector.shape_cast %reduce_sum3A_210 : vector<1xf32> to vector<1x1x1xf32>
    %reduce_sum3A_212 = vector.extract %reduce_sum3A_211[0, 0, 0] : f32 from vector<1x1x1xf32>
    %broadcast_in_dim3A_213 = vector.broadcast %reduce_sum3A_212 : f32 to vector<1x1xf32>
    %lt3A_214 = arith.cmpf olt, %broadcast_in_dim3A_187, %broadcast_in_dim3A_10 : vector<1x1xf32>
    %convert_element_type3A_215 = arith.extui %lt3A_214 : vector<1x1xi1> to vector<1x1xi32>
    %lt3A_216 = arith.cmpf olt, %broadcast_in_dim3A_200, %broadcast_in_dim3A_10 : vector<1x1xf32>
    %convert_element_type3A_217 = arith.extui %lt3A_216 : vector<1x1xi1> to vector<1x1xi32>
    %add3A_218 = arith.addi %convert_element_type3A_215, %convert_element_type3A_217 : vector<1x1xi32>
    %lt3A_219 = arith.cmpf olt, %broadcast_in_dim3A_213, %broadcast_in_dim3A_10 : vector<1x1xf32>
    %convert_element_type3A_220 = arith.extui %lt3A_219 : vector<1x1xi1> to vector<1x1xi32>
    %add3A_221 = arith.addi %add3A_218, %convert_element_type3A_220 : vector<1x1xi32>
    %mul3A_222 = arith.constant 4194304 : i32
    %mul3A_223 = vector.broadcast %mul3A_222 : i32 to vector<1x1xi32>
    %mul3A_224 = arith.muli %add3A_221, %mul3A_223 : vector<1x1xi32>
    %add3A_225 = arith.addi %add3A_174, %mul3A_224 : vector<1x1xi32>
    %add3A_226 = arith.constant 1048576 : i32
    %add3A_227 = vector.broadcast %add3A_226 : i32 to vector<1x1xi32>
    %add3A_228 = arith.addi %add3A_225, %add3A_227 : vector<1x1xi32>
    %lt3A_229 = vector.broadcast %add3A_228 : vector<1x1xi32> to vector<256x128xi32>
    %lt3A_230 = arith.cmpi slt, %bitcast_convert_type3A, %lt3A_229 : vector<256x128xi32>
    %convert_element_type3A_231 = arith.extui %lt3A_230 : vector<256x128xi1> to vector<256x128xi32>
    %convert_element_type3A_232 = arith.sitofp %convert_element_type3A_231 : vector<256x128xi32> to vector<256x128xf32>
    %reduce_sum3A_233 = vector.shape_cast %convert_element_type3A_232 : vector<256x128xf32> to vector<1x256x128xf32>
    %reduce_sum3A_234 = arith.constant dense<0.000000e+00> : vector<1xf32>
    %reduce_sum3A_235 = vector.multi_reduction <add>, %reduce_sum3A_233, %reduce_sum3A_234 [1, 2] : vector<1x256x128xf32> to vector<1xf32>
    %reduce_sum3A_236 = vector.shape_cast %reduce_sum3A_235 : vector<1xf32> to vector<1x1x1xf32>
    %reduce_sum3A_237 = vector.extract %reduce_sum3A_236[0, 0, 0] : f32 from vector<1x1x1xf32>
    %broadcast_in_dim3A_238 = vector.broadcast %reduce_sum3A_237 : f32 to vector<1x1xf32>
    %add3A_239 = arith.constant 2097152 : i32
    %add3A_240 = vector.broadcast %add3A_239 : i32 to vector<1x1xi32>
    %add3A_241 = arith.addi %add3A_225, %add3A_240 : vector<1x1xi32>
    %lt3A_242 = vector.broadcast %add3A_241 : vector<1x1xi32> to vector<256x128xi32>
    %lt3A_243 = arith.cmpi slt, %bitcast_convert_type3A, %lt3A_242 : vector<256x128xi32>
    %convert_element_type3A_244 = arith.extui %lt3A_243 : vector<256x128xi1> to vector<256x128xi32>
    %convert_element_type3A_245 = arith.sitofp %convert_element_type3A_244 : vector<256x128xi32> to vector<256x128xf32>
    %reduce_sum3A_246 = vector.shape_cast %convert_element_type3A_245 : vector<256x128xf32> to vector<1x256x128xf32>
    %reduce_sum3A_247 = arith.constant dense<0.000000e+00> : vector<1xf32>
    %reduce_sum3A_248 = vector.multi_reduction <add>, %reduce_sum3A_246, %reduce_sum3A_247 [1, 2] : vector<1x256x128xf32> to vector<1xf32>
    %reduce_sum3A_249 = vector.shape_cast %reduce_sum3A_248 : vector<1xf32> to vector<1x1x1xf32>
    %reduce_sum3A_250 = vector.extract %reduce_sum3A_249[0, 0, 0] : f32 from vector<1x1x1xf32>
    %broadcast_in_dim3A_251 = vector.broadcast %reduce_sum3A_250 : f32 to vector<1x1xf32>
    %add3A_252 = arith.constant 3145728 : i32
    %add3A_253 = vector.broadcast %add3A_252 : i32 to vector<1x1xi32>
    %add3A_254 = arith.addi %add3A_225, %add3A_253 : vector<1x1xi32>
    %lt3A_255 = vector.broadcast %add3A_254 : vector<1x1xi32> to vector<256x128xi32>
    %lt3A_256 = arith.cmpi slt, %bitcast_convert_type3A, %lt3A_255 : vector<256x128xi32>
    %convert_element_type3A_257 = arith.extui %lt3A_256 : vector<256x128xi1> to vector<256x128xi32>
    %convert_element_type3A_258 = arith.sitofp %convert_element_type3A_257 : vector<256x128xi32> to vector<256x128xf32>
    %reduce_sum3A_259 = vector.shape_cast %convert_element_type3A_258 : vector<256x128xf32> to vector<1x256x128xf32>
    %reduce_sum3A_260 = arith.constant dense<0.000000e+00> : vector<1xf32>
    %reduce_sum3A_261 = vector.multi_reduction <add>, %reduce_sum3A_259, %reduce_sum3A_260 [1, 2] : vector<1x256x128xf32> to vector<1xf32>
    %reduce_sum3A_262 = vector.shape_cast %reduce_sum3A_261 : vector<1xf32> to vector<1x1x1xf32>
    %reduce_sum3A_263 = vector.extract %reduce_sum3A_262[0, 0, 0] : f32 from vector<1x1x1xf32>
    %broadcast_in_dim3A_264 = vector.broadcast %reduce_sum3A_263 : f32 to vector<1x1xf32>
    %lt3A_265 = arith.cmpf olt, %broadcast_in_dim3A_238, %broadcast_in_dim3A_10 : vector<1x1xf32>
    %convert_element_type3A_266 = arith.extui %lt3A_265 : vector<1x1xi1> to vector<1x1xi32>
    %lt3A_267 = arith.cmpf olt, %broadcast_in_dim3A_251, %broadcast_in_dim3A_10 : vector<1x1xf32>
    %convert_element_type3A_268 = arith.extui %lt3A_267 : vector<1x1xi1> to vector<1x1xi32>
    %add3A_269 = arith.addi %convert_element_type3A_266, %convert_element_type3A_268 : vector<1x1xi32>
    %lt3A_270 = arith.cmpf olt, %broadcast_in_dim3A_264, %broadcast_in_dim3A_10 : vector<1x1xf32>
    %convert_element_type3A_271 = arith.extui %lt3A_270 : vector<1x1xi1> to vector<1x1xi32>
    %add3A_272 = arith.addi %add3A_269, %convert_element_type3A_271 : vector<1x1xi32>
    %mul3A_273 = arith.constant 1048576 : i32
    %mul3A_274 = vector.broadcast %mul3A_273 : i32 to vector<1x1xi32>
    %mul3A_275 = arith.muli %add3A_272, %mul3A_274 : vector<1x1xi32>
    %add3A_276 = arith.addi %add3A_225, %mul3A_275 : vector<1x1xi32>
    %add3A_277 = arith.constant 262144 : i32
    %add3A_278 = vector.broadcast %add3A_277 : i32 to vector<1x1xi32>
    %add3A_279 = arith.addi %add3A_276, %add3A_278 : vector<1x1xi32>
    %lt3A_280 = vector.broadcast %add3A_279 : vector<1x1xi32> to vector<256x128xi32>
    %lt3A_281 = arith.cmpi slt, %bitcast_convert_type3A, %lt3A_280 : vector<256x128xi32>
    %convert_element_type3A_282 = arith.extui %lt3A_281 : vector<256x128xi1> to vector<256x128xi32>
    %convert_element_type3A_283 = arith.sitofp %convert_element_type3A_282 : vector<256x128xi32> to vector<256x128xf32>
    %reduce_sum3A_284 = vector.shape_cast %convert_element_type3A_283 : vector<256x128xf32> to vector<1x256x128xf32>
    %reduce_sum3A_285 = arith.constant dense<0.000000e+00> : vector<1xf32>
    %reduce_sum3A_286 = vector.multi_reduction <add>, %reduce_sum3A_284, %reduce_sum3A_285 [1, 2] : vector<1x256x128xf32> to vector<1xf32>
    %reduce_sum3A_287 = vector.shape_cast %reduce_sum3A_286 : vector<1xf32> to vector<1x1x1xf32>
    %reduce_sum3A_288 = vector.extract %reduce_sum3A_287[0, 0, 0] : f32 from vector<1x1x1xf32>
    %broadcast_in_dim3A_289 = vector.broadcast %reduce_sum3A_288 : f32 to vector<1x1xf32>
    %add3A_290 = arith.constant 524288 : i32
    %add3A_291 = vector.broadcast %add3A_290 : i32 to vector<1x1xi32>
    %add3A_292 = arith.addi %add3A_276, %add3A_291 : vector<1x1xi32>
    %lt3A_293 = vector.broadcast %add3A_292 : vector<1x1xi32> to vector<256x128xi32>
    %lt3A_294 = arith.cmpi slt, %bitcast_convert_type3A, %lt3A_293 : vector<256x128xi32>
    %convert_element_type3A_295 = arith.extui %lt3A_294 : vector<256x128xi1> to vector<256x128xi32>
    %convert_element_type3A_296 = arith.sitofp %convert_element_type3A_295 : vector<256x128xi32> to vector<256x128xf32>
    %reduce_sum3A_297 = vector.shape_cast %convert_element_type3A_296 : vector<256x128xf32> to vector<1x256x128xf32>
    %reduce_sum3A_298 = arith.constant dense<0.000000e+00> : vector<1xf32>
    %reduce_sum3A_299 = vector.multi_reduction <add>, %reduce_sum3A_297, %reduce_sum3A_298 [1, 2] : vector<1x256x128xf32> to vector<1xf32>
    %reduce_sum3A_300 = vector.shape_cast %reduce_sum3A_299 : vector<1xf32> to vector<1x1x1xf32>
    %reduce_sum3A_301 = vector.extract %reduce_sum3A_300[0, 0, 0] : f32 from vector<1x1x1xf32>
    %broadcast_in_dim3A_302 = vector.broadcast %reduce_sum3A_301 : f32 to vector<1x1xf32>
    %add3A_303 = arith.constant 786432 : i32
    %add3A_304 = vector.broadcast %add3A_303 : i32 to vector<1x1xi32>
    %add3A_305 = arith.addi %add3A_276, %add3A_304 : vector<1x1xi32>
    %lt3A_306 = vector.broadcast %add3A_305 : vector<1x1xi32> to vector<256x128xi32>
    %lt3A_307 = arith.cmpi slt, %bitcast_convert_type3A, %lt3A_306 : vector<256x128xi32>
    %convert_element_type3A_308 = arith.extui %lt3A_307 : vector<256x128xi1> to vector<256x128xi32>
    %convert_element_type3A_309 = arith.sitofp %convert_element_type3A_308 : vector<256x128xi32> to vector<256x128xf32>
    %reduce_sum3A_310 = vector.shape_cast %convert_element_type3A_309 : vector<256x128xf32> to vector<1x256x128xf32>
    %reduce_sum3A_311 = arith.constant dense<0.000000e+00> : vector<1xf32>
    %reduce_sum3A_312 = vector.multi_reduction <add>, %reduce_sum3A_310, %reduce_sum3A_311 [1, 2] : vector<1x256x128xf32> to vector<1xf32>
    %reduce_sum3A_313 = vector.shape_cast %reduce_sum3A_312 : vector<1xf32> to vector<1x1x1xf32>
    %reduce_sum3A_314 = vector.extract %reduce_sum3A_313[0, 0, 0] : f32 from vector<1x1x1xf32>
    %broadcast_in_dim3A_315 = vector.broadcast %reduce_sum3A_314 : f32 to vector<1x1xf32>
    %lt3A_316 = arith.cmpf olt, %broadcast_in_dim3A_289, %broadcast_in_dim3A_10 : vector<1x1xf32>
    %convert_element_type3A_317 = arith.extui %lt3A_316 : vector<1x1xi1> to vector<1x1xi32>
    %lt3A_318 = arith.cmpf olt, %broadcast_in_dim3A_302, %broadcast_in_dim3A_10 : vector<1x1xf32>
    %convert_element_type3A_319 = arith.extui %lt3A_318 : vector<1x1xi1> to vector<1x1xi32>
    %add3A_320 = arith.addi %convert_element_type3A_317, %convert_element_type3A_319 : vector<1x1xi32>
    %lt3A_321 = arith.cmpf olt, %broadcast_in_dim3A_315, %broadcast_in_dim3A_10 : vector<1x1xf32>
    %convert_element_type3A_322 = arith.extui %lt3A_321 : vector<1x1xi1> to vector<1x1xi32>
    %add3A_323 = arith.addi %add3A_320, %convert_element_type3A_322 : vector<1x1xi32>
    %mul3A_324 = arith.constant 262144 : i32
    %mul3A_325 = vector.broadcast %mul3A_324 : i32 to vector<1x1xi32>
    %mul3A_326 = arith.muli %add3A_323, %mul3A_325 : vector<1x1xi32>
    %add3A_327 = arith.addi %add3A_276, %mul3A_326 : vector<1x1xi32>
    %add3A_328 = arith.constant 65536 : i32
    %add3A_329 = vector.broadcast %add3A_328 : i32 to vector<1x1xi32>
    %add3A_330 = arith.addi %add3A_327, %add3A_329 : vector<1x1xi32>
    %lt3A_331 = vector.broadcast %add3A_330 : vector<1x1xi32> to vector<256x128xi32>
    %lt3A_332 = arith.cmpi slt, %bitcast_convert_type3A, %lt3A_331 : vector<256x128xi32>
    %convert_element_type3A_333 = arith.extui %lt3A_332 : vector<256x128xi1> to vector<256x128xi32>
    %convert_element_type3A_334 = arith.sitofp %convert_element_type3A_333 : vector<256x128xi32> to vector<256x128xf32>
    %reduce_sum3A_335 = vector.shape_cast %convert_element_type3A_334 : vector<256x128xf32> to vector<1x256x128xf32>
    %reduce_sum3A_336 = arith.constant dense<0.000000e+00> : vector<1xf32>
    %reduce_sum3A_337 = vector.multi_reduction <add>, %reduce_sum3A_335, %reduce_sum3A_336 [1, 2] : vector<1x256x128xf32> to vector<1xf32>
    %reduce_sum3A_338 = vector.shape_cast %reduce_sum3A_337 : vector<1xf32> to vector<1x1x1xf32>
    %reduce_sum3A_339 = vector.extract %reduce_sum3A_338[0, 0, 0] : f32 from vector<1x1x1xf32>
    %broadcast_in_dim3A_340 = vector.broadcast %reduce_sum3A_339 : f32 to vector<1x1xf32>
    %add3A_341 = arith.constant 131072 : i32
    %add3A_342 = vector.broadcast %add3A_341 : i32 to vector<1x1xi32>
    %add3A_343 = arith.addi %add3A_327, %add3A_342 : vector<1x1xi32>
    %lt3A_344 = vector.broadcast %add3A_343 : vector<1x1xi32> to vector<256x128xi32>
    %lt3A_345 = arith.cmpi slt, %bitcast_convert_type3A, %lt3A_344 : vector<256x128xi32>
    %convert_element_type3A_346 = arith.extui %lt3A_345 : vector<256x128xi1> to vector<256x128xi32>
    %convert_element_type3A_347 = arith.sitofp %convert_element_type3A_346 : vector<256x128xi32> to vector<256x128xf32>
    %reduce_sum3A_348 = vector.shape_cast %convert_element_type3A_347 : vector<256x128xf32> to vector<1x256x128xf32>
    %reduce_sum3A_349 = arith.constant dense<0.000000e+00> : vector<1xf32>
    %reduce_sum3A_350 = vector.multi_reduction <add>, %reduce_sum3A_348, %reduce_sum3A_349 [1, 2] : vector<1x256x128xf32> to vector<1xf32>
    %reduce_sum3A_351 = vector.shape_cast %reduce_sum3A_350 : vector<1xf32> to vector<1x1x1xf32>
    %reduce_sum3A_352 = vector.extract %reduce_sum3A_351[0, 0, 0] : f32 from vector<1x1x1xf32>
    %broadcast_in_dim3A_353 = vector.broadcast %reduce_sum3A_352 : f32 to vector<1x1xf32>
    %add3A_354 = arith.constant 196608 : i32
    %add3A_355 = vector.broadcast %add3A_354 : i32 to vector<1x1xi32>
    %add3A_356 = arith.addi %add3A_327, %add3A_355 : vector<1x1xi32>
    %lt3A_357 = vector.broadcast %add3A_356 : vector<1x1xi32> to vector<256x128xi32>
    %lt3A_358 = arith.cmpi slt, %bitcast_convert_type3A, %lt3A_357 : vector<256x128xi32>
    %convert_element_type3A_359 = arith.extui %lt3A_358 : vector<256x128xi1> to vector<256x128xi32>
    %convert_element_type3A_360 = arith.sitofp %convert_element_type3A_359 : vector<256x128xi32> to vector<256x128xf32>
    %reduce_sum3A_361 = vector.shape_cast %convert_element_type3A_360 : vector<256x128xf32> to vector<1x256x128xf32>
    %reduce_sum3A_362 = arith.constant dense<0.000000e+00> : vector<1xf32>
    %reduce_sum3A_363 = vector.multi_reduction <add>, %reduce_sum3A_361, %reduce_sum3A_362 [1, 2] : vector<1x256x128xf32> to vector<1xf32>
    %reduce_sum3A_364 = vector.shape_cast %reduce_sum3A_363 : vector<1xf32> to vector<1x1x1xf32>
    %reduce_sum3A_365 = vector.extract %reduce_sum3A_364[0, 0, 0] : f32 from vector<1x1x1xf32>
    %broadcast_in_dim3A_366 = vector.broadcast %reduce_sum3A_365 : f32 to vector<1x1xf32>
    %lt3A_367 = arith.cmpf olt, %broadcast_in_dim3A_340, %broadcast_in_dim3A_10 : vector<1x1xf32>
    %convert_element_type3A_368 = arith.extui %lt3A_367 : vector<1x1xi1> to vector<1x1xi32>
    %lt3A_369 = arith.cmpf olt, %broadcast_in_dim3A_353, %broadcast_in_dim3A_10 : vector<1x1xf32>
    %convert_element_type3A_370 = arith.extui %lt3A_369 : vector<1x1xi1> to vector<1x1xi32>
    %add3A_371 = arith.addi %convert_element_type3A_368, %convert_element_type3A_370 : vector<1x1xi32>
    %lt3A_372 = arith.cmpf olt, %broadcast_in_dim3A_366, %broadcast_in_dim3A_10 : vector<1x1xf32>
    %convert_element_type3A_373 = arith.extui %lt3A_372 : vector<1x1xi1> to vector<1x1xi32>
    %add3A_374 = arith.addi %add3A_371, %convert_element_type3A_373 : vector<1x1xi32>
    %mul3A_375 = arith.constant 65536 : i32
    %mul3A_376 = vector.broadcast %mul3A_375 : i32 to vector<1x1xi32>
    %mul3A_377 = arith.muli %add3A_374, %mul3A_376 : vector<1x1xi32>
    %add3A_378 = arith.addi %add3A_327, %mul3A_377 : vector<1x1xi32>
    %add3A_379 = arith.constant 16384 : i32
    %add3A_380 = vector.broadcast %add3A_379 : i32 to vector<1x1xi32>
    %add3A_381 = arith.addi %add3A_378, %add3A_380 : vector<1x1xi32>
    %lt3A_382 = vector.broadcast %add3A_381 : vector<1x1xi32> to vector<256x128xi32>
    %lt3A_383 = arith.cmpi slt, %bitcast_convert_type3A, %lt3A_382 : vector<256x128xi32>
    %convert_element_type3A_384 = arith.extui %lt3A_383 : vector<256x128xi1> to vector<256x128xi32>
    %convert_element_type3A_385 = arith.sitofp %convert_element_type3A_384 : vector<256x128xi32> to vector<256x128xf32>
    %reduce_sum3A_386 = vector.shape_cast %convert_element_type3A_385 : vector<256x128xf32> to vector<1x256x128xf32>
    %reduce_sum3A_387 = arith.constant dense<0.000000e+00> : vector<1xf32>
    %reduce_sum3A_388 = vector.multi_reduction <add>, %reduce_sum3A_386, %reduce_sum3A_387 [1, 2] : vector<1x256x128xf32> to vector<1xf32>
    %reduce_sum3A_389 = vector.shape_cast %reduce_sum3A_388 : vector<1xf32> to vector<1x1x1xf32>
    %reduce_sum3A_390 = vector.extract %reduce_sum3A_389[0, 0, 0] : f32 from vector<1x1x1xf32>
    %broadcast_in_dim3A_391 = vector.broadcast %reduce_sum3A_390 : f32 to vector<1x1xf32>
    %add3A_392 = arith.constant 32768 : i32
    %add3A_393 = vector.broadcast %add3A_392 : i32 to vector<1x1xi32>
    %add3A_394 = arith.addi %add3A_378, %add3A_393 : vector<1x1xi32>
    %lt3A_395 = vector.broadcast %add3A_394 : vector<1x1xi32> to vector<256x128xi32>
    %lt3A_396 = arith.cmpi slt, %bitcast_convert_type3A, %lt3A_395 : vector<256x128xi32>
    %convert_element_type3A_397 = arith.extui %lt3A_396 : vector<256x128xi1> to vector<256x128xi32>
    %convert_element_type3A_398 = arith.sitofp %convert_element_type3A_397 : vector<256x128xi32> to vector<256x128xf32>
    %reduce_sum3A_399 = vector.shape_cast %convert_element_type3A_398 : vector<256x128xf32> to vector<1x256x128xf32>
    %reduce_sum3A_400 = arith.constant dense<0.000000e+00> : vector<1xf32>
    %reduce_sum3A_401 = vector.multi_reduction <add>, %reduce_sum3A_399, %reduce_sum3A_400 [1, 2] : vector<1x256x128xf32> to vector<1xf32>
    %reduce_sum3A_402 = vector.shape_cast %reduce_sum3A_401 : vector<1xf32> to vector<1x1x1xf32>
    %reduce_sum3A_403 = vector.extract %reduce_sum3A_402[0, 0, 0] : f32 from vector<1x1x1xf32>
    %broadcast_in_dim3A_404 = vector.broadcast %reduce_sum3A_403 : f32 to vector<1x1xf32>
    %add3A_405 = arith.constant 49152 : i32
    %add3A_406 = vector.broadcast %add3A_405 : i32 to vector<1x1xi32>
    %add3A_407 = arith.addi %add3A_378, %add3A_406 : vector<1x1xi32>
    %lt3A_408 = vector.broadcast %add3A_407 : vector<1x1xi32> to vector<256x128xi32>
    %lt3A_409 = arith.cmpi slt, %bitcast_convert_type3A, %lt3A_408 : vector<256x128xi32>
    %convert_element_type3A_410 = arith.extui %lt3A_409 : vector<256x128xi1> to vector<256x128xi32>
    %convert_element_type3A_411 = arith.sitofp %convert_element_type3A_410 : vector<256x128xi32> to vector<256x128xf32>
    %reduce_sum3A_412 = vector.shape_cast %convert_element_type3A_411 : vector<256x128xf32> to vector<1x256x128xf32>
    %reduce_sum3A_413 = arith.constant dense<0.000000e+00> : vector<1xf32>
    %reduce_sum3A_414 = vector.multi_reduction <add>, %reduce_sum3A_412, %reduce_sum3A_413 [1, 2] : vector<1x256x128xf32> to vector<1xf32>
    %reduce_sum3A_415 = vector.shape_cast %reduce_sum3A_414 : vector<1xf32> to vector<1x1x1xf32>
    %reduce_sum3A_416 = vector.extract %reduce_sum3A_415[0, 0, 0] : f32 from vector<1x1x1xf32>
    %broadcast_in_dim3A_417 = vector.broadcast %reduce_sum3A_416 : f32 to vector<1x1xf32>
    %lt3A_418 = arith.cmpf olt, %broadcast_in_dim3A_391, %broadcast_in_dim3A_10 : vector<1x1xf32>
    %convert_element_type3A_419 = arith.extui %lt3A_418 : vector<1x1xi1> to vector<1x1xi32>
    %lt3A_420 = arith.cmpf olt, %broadcast_in_dim3A_404, %broadcast_in_dim3A_10 : vector<1x1xf32>
    %convert_element_type3A_421 = arith.extui %lt3A_420 : vector<1x1xi1> to vector<1x1xi32>
    %add3A_422 = arith.addi %convert_element_type3A_419, %convert_element_type3A_421 : vector<1x1xi32>
    %lt3A_423 = arith.cmpf olt, %broadcast_in_dim3A_417, %broadcast_in_dim3A_10 : vector<1x1xf32>
    %convert_element_type3A_424 = arith.extui %lt3A_423 : vector<1x1xi1> to vector<1x1xi32>
    %add3A_425 = arith.addi %add3A_422, %convert_element_type3A_424 : vector<1x1xi32>
    %mul3A_426 = arith.constant 16384 : i32
    %mul3A_427 = vector.broadcast %mul3A_426 : i32 to vector<1x1xi32>
    %mul3A_428 = arith.muli %add3A_425, %mul3A_427 : vector<1x1xi32>
    %add3A_429 = arith.addi %add3A_378, %mul3A_428 : vector<1x1xi32>
    %add3A_430 = arith.constant 4096 : i32
    %add3A_431 = vector.broadcast %add3A_430 : i32 to vector<1x1xi32>
    %add3A_432 = arith.addi %add3A_429, %add3A_431 : vector<1x1xi32>
    %lt3A_433 = vector.broadcast %add3A_432 : vector<1x1xi32> to vector<256x128xi32>
    %lt3A_434 = arith.cmpi slt, %bitcast_convert_type3A, %lt3A_433 : vector<256x128xi32>
    %convert_element_type3A_435 = arith.extui %lt3A_434 : vector<256x128xi1> to vector<256x128xi32>
    %convert_element_type3A_436 = arith.sitofp %convert_element_type3A_435 : vector<256x128xi32> to vector<256x128xf32>
    %reduce_sum3A_437 = vector.shape_cast %convert_element_type3A_436 : vector<256x128xf32> to vector<1x256x128xf32>
    %reduce_sum3A_438 = arith.constant dense<0.000000e+00> : vector<1xf32>
    %reduce_sum3A_439 = vector.multi_reduction <add>, %reduce_sum3A_437, %reduce_sum3A_438 [1, 2] : vector<1x256x128xf32> to vector<1xf32>
    %reduce_sum3A_440 = vector.shape_cast %reduce_sum3A_439 : vector<1xf32> to vector<1x1x1xf32>
    %reduce_sum3A_441 = vector.extract %reduce_sum3A_440[0, 0, 0] : f32 from vector<1x1x1xf32>
    %broadcast_in_dim3A_442 = vector.broadcast %reduce_sum3A_441 : f32 to vector<1x1xf32>
    %add3A_443 = arith.constant 8192 : i32
    %add3A_444 = vector.broadcast %add3A_443 : i32 to vector<1x1xi32>
    %add3A_445 = arith.addi %add3A_429, %add3A_444 : vector<1x1xi32>
    %lt3A_446 = vector.broadcast %add3A_445 : vector<1x1xi32> to vector<256x128xi32>
    %lt3A_447 = arith.cmpi slt, %bitcast_convert_type3A, %lt3A_446 : vector<256x128xi32>
    %convert_element_type3A_448 = arith.extui %lt3A_447 : vector<256x128xi1> to vector<256x128xi32>
    %convert_element_type3A_449 = arith.sitofp %convert_element_type3A_448 : vector<256x128xi32> to vector<256x128xf32>
    %reduce_sum3A_450 = vector.shape_cast %convert_element_type3A_449 : vector<256x128xf32> to vector<1x256x128xf32>
    %reduce_sum3A_451 = arith.constant dense<0.000000e+00> : vector<1xf32>
    %reduce_sum3A_452 = vector.multi_reduction <add>, %reduce_sum3A_450, %reduce_sum3A_451 [1, 2] : vector<1x256x128xf32> to vector<1xf32>
    %reduce_sum3A_453 = vector.shape_cast %reduce_sum3A_452 : vector<1xf32> to vector<1x1x1xf32>
    %reduce_sum3A_454 = vector.extract %reduce_sum3A_453[0, 0, 0] : f32 from vector<1x1x1xf32>
    %broadcast_in_dim3A_455 = vector.broadcast %reduce_sum3A_454 : f32 to vector<1x1xf32>
    %add3A_456 = arith.constant 12288 : i32
    %add3A_457 = vector.broadcast %add3A_456 : i32 to vector<1x1xi32>
    %add3A_458 = arith.addi %add3A_429, %add3A_457 : vector<1x1xi32>
    %lt3A_459 = vector.broadcast %add3A_458 : vector<1x1xi32> to vector<256x128xi32>
    %lt3A_460 = arith.cmpi slt, %bitcast_convert_type3A, %lt3A_459 : vector<256x128xi32>
    %convert_element_type3A_461 = arith.extui %lt3A_460 : vector<256x128xi1> to vector<256x128xi32>
    %convert_element_type3A_462 = arith.sitofp %convert_element_type3A_461 : vector<256x128xi32> to vector<256x128xf32>
    %reduce_sum3A_463 = vector.shape_cast %convert_element_type3A_462 : vector<256x128xf32> to vector<1x256x128xf32>
    %reduce_sum3A_464 = arith.constant dense<0.000000e+00> : vector<1xf32>
    %reduce_sum3A_465 = vector.multi_reduction <add>, %reduce_sum3A_463, %reduce_sum3A_464 [1, 2] : vector<1x256x128xf32> to vector<1xf32>
    %reduce_sum3A_466 = vector.shape_cast %reduce_sum3A_465 : vector<1xf32> to vector<1x1x1xf32>
    %reduce_sum3A_467 = vector.extract %reduce_sum3A_466[0, 0, 0] : f32 from vector<1x1x1xf32>
    %broadcast_in_dim3A_468 = vector.broadcast %reduce_sum3A_467 : f32 to vector<1x1xf32>
    %lt3A_469 = arith.cmpf olt, %broadcast_in_dim3A_442, %broadcast_in_dim3A_10 : vector<1x1xf32>
    %convert_element_type3A_470 = arith.extui %lt3A_469 : vector<1x1xi1> to vector<1x1xi32>
    %lt3A_471 = arith.cmpf olt, %broadcast_in_dim3A_455, %broadcast_in_dim3A_10 : vector<1x1xf32>
    %convert_element_type3A_472 = arith.extui %lt3A_471 : vector<1x1xi1> to vector<1x1xi32>
    %add3A_473 = arith.addi %convert_element_type3A_470, %convert_element_type3A_472 : vector<1x1xi32>
    %lt3A_474 = arith.cmpf olt, %broadcast_in_dim3A_468, %broadcast_in_dim3A_10 : vector<1x1xf32>
    %convert_element_type3A_475 = arith.extui %lt3A_474 : vector<1x1xi1> to vector<1x1xi32>
    %add3A_476 = arith.addi %add3A_473, %convert_element_type3A_475 : vector<1x1xi32>
    %mul3A_477 = arith.constant 4096 : i32
    %mul3A_478 = vector.broadcast %mul3A_477 : i32 to vector<1x1xi32>
    %mul3A_479 = arith.muli %add3A_476, %mul3A_478 : vector<1x1xi32>
    %add3A_480 = arith.addi %add3A_429, %mul3A_479 : vector<1x1xi32>
    %add3A_481 = arith.constant 1024 : i32
    %add3A_482 = vector.broadcast %add3A_481 : i32 to vector<1x1xi32>
    %add3A_483 = arith.addi %add3A_480, %add3A_482 : vector<1x1xi32>
    %lt3A_484 = vector.broadcast %add3A_483 : vector<1x1xi32> to vector<256x128xi32>
    %lt3A_485 = arith.cmpi slt, %bitcast_convert_type3A, %lt3A_484 : vector<256x128xi32>
    %convert_element_type3A_486 = arith.extui %lt3A_485 : vector<256x128xi1> to vector<256x128xi32>
    %convert_element_type3A_487 = arith.sitofp %convert_element_type3A_486 : vector<256x128xi32> to vector<256x128xf32>
    %reduce_sum3A_488 = vector.shape_cast %convert_element_type3A_487 : vector<256x128xf32> to vector<1x256x128xf32>
    %reduce_sum3A_489 = arith.constant dense<0.000000e+00> : vector<1xf32>
    %reduce_sum3A_490 = vector.multi_reduction <add>, %reduce_sum3A_488, %reduce_sum3A_489 [1, 2] : vector<1x256x128xf32> to vector<1xf32>
    %reduce_sum3A_491 = vector.shape_cast %reduce_sum3A_490 : vector<1xf32> to vector<1x1x1xf32>
    %reduce_sum3A_492 = vector.extract %reduce_sum3A_491[0, 0, 0] : f32 from vector<1x1x1xf32>
    %broadcast_in_dim3A_493 = vector.broadcast %reduce_sum3A_492 : f32 to vector<1x1xf32>
    %add3A_494 = arith.constant 2048 : i32
    %add3A_495 = vector.broadcast %add3A_494 : i32 to vector<1x1xi32>
    %add3A_496 = arith.addi %add3A_480, %add3A_495 : vector<1x1xi32>
    %lt3A_497 = vector.broadcast %add3A_496 : vector<1x1xi32> to vector<256x128xi32>
    %lt3A_498 = arith.cmpi slt, %bitcast_convert_type3A, %lt3A_497 : vector<256x128xi32>
    %convert_element_type3A_499 = arith.extui %lt3A_498 : vector<256x128xi1> to vector<256x128xi32>
    %convert_element_type3A_500 = arith.sitofp %convert_element_type3A_499 : vector<256x128xi32> to vector<256x128xf32>
    %reduce_sum3A_501 = vector.shape_cast %convert_element_type3A_500 : vector<256x128xf32> to vector<1x256x128xf32>
    %reduce_sum3A_502 = arith.constant dense<0.000000e+00> : vector<1xf32>
    %reduce_sum3A_503 = vector.multi_reduction <add>, %reduce_sum3A_501, %reduce_sum3A_502 [1, 2] : vector<1x256x128xf32> to vector<1xf32>
    %reduce_sum3A_504 = vector.shape_cast %reduce_sum3A_503 : vector<1xf32> to vector<1x1x1xf32>
    %reduce_sum3A_505 = vector.extract %reduce_sum3A_504[0, 0, 0] : f32 from vector<1x1x1xf32>
    %broadcast_in_dim3A_506 = vector.broadcast %reduce_sum3A_505 : f32 to vector<1x1xf32>
    %add3A_507 = arith.constant 3072 : i32
    %add3A_508 = vector.broadcast %add3A_507 : i32 to vector<1x1xi32>
    %add3A_509 = arith.addi %add3A_480, %add3A_508 : vector<1x1xi32>
    %lt3A_510 = vector.broadcast %add3A_509 : vector<1x1xi32> to vector<256x128xi32>
    %lt3A_511 = arith.cmpi slt, %bitcast_convert_type3A, %lt3A_510 : vector<256x128xi32>
    %convert_element_type3A_512 = arith.extui %lt3A_511 : vector<256x128xi1> to vector<256x128xi32>
    %convert_element_type3A_513 = arith.sitofp %convert_element_type3A_512 : vector<256x128xi32> to vector<256x128xf32>
    %reduce_sum3A_514 = vector.shape_cast %convert_element_type3A_513 : vector<256x128xf32> to vector<1x256x128xf32>
    %reduce_sum3A_515 = arith.constant dense<0.000000e+00> : vector<1xf32>
    %reduce_sum3A_516 = vector.multi_reduction <add>, %reduce_sum3A_514, %reduce_sum3A_515 [1, 2] : vector<1x256x128xf32> to vector<1xf32>
    %reduce_sum3A_517 = vector.shape_cast %reduce_sum3A_516 : vector<1xf32> to vector<1x1x1xf32>
    %reduce_sum3A_518 = vector.extract %reduce_sum3A_517[0, 0, 0] : f32 from vector<1x1x1xf32>
    %broadcast_in_dim3A_519 = vector.broadcast %reduce_sum3A_518 : f32 to vector<1x1xf32>
    %lt3A_520 = arith.cmpf olt, %broadcast_in_dim3A_493, %broadcast_in_dim3A_10 : vector<1x1xf32>
    %convert_element_type3A_521 = arith.extui %lt3A_520 : vector<1x1xi1> to vector<1x1xi32>
    %lt3A_522 = arith.cmpf olt, %broadcast_in_dim3A_506, %broadcast_in_dim3A_10 : vector<1x1xf32>
    %convert_element_type3A_523 = arith.extui %lt3A_522 : vector<1x1xi1> to vector<1x1xi32>
    %add3A_524 = arith.addi %convert_element_type3A_521, %convert_element_type3A_523 : vector<1x1xi32>
    %lt3A_525 = arith.cmpf olt, %broadcast_in_dim3A_519, %broadcast_in_dim3A_10 : vector<1x1xf32>
    %convert_element_type3A_526 = arith.extui %lt3A_525 : vector<1x1xi1> to vector<1x1xi32>
    %add3A_527 = arith.addi %add3A_524, %convert_element_type3A_526 : vector<1x1xi32>
    %mul3A_528 = arith.constant 1024 : i32
    %mul3A_529 = vector.broadcast %mul3A_528 : i32 to vector<1x1xi32>
    %mul3A_530 = arith.muli %add3A_527, %mul3A_529 : vector<1x1xi32>
    %add3A_531 = arith.addi %add3A_480, %mul3A_530 : vector<1x1xi32>
    %add3A_532 = arith.constant 256 : i32
    %add3A_533 = vector.broadcast %add3A_532 : i32 to vector<1x1xi32>
    %add3A_534 = arith.addi %add3A_531, %add3A_533 : vector<1x1xi32>
    %lt3A_535 = vector.broadcast %add3A_534 : vector<1x1xi32> to vector<256x128xi32>
    %lt3A_536 = arith.cmpi slt, %bitcast_convert_type3A, %lt3A_535 : vector<256x128xi32>
    %convert_element_type3A_537 = arith.extui %lt3A_536 : vector<256x128xi1> to vector<256x128xi32>
    %convert_element_type3A_538 = arith.sitofp %convert_element_type3A_537 : vector<256x128xi32> to vector<256x128xf32>
    %reduce_sum3A_539 = vector.shape_cast %convert_element_type3A_538 : vector<256x128xf32> to vector<1x256x128xf32>
    %reduce_sum3A_540 = arith.constant dense<0.000000e+00> : vector<1xf32>
    %reduce_sum3A_541 = vector.multi_reduction <add>, %reduce_sum3A_539, %reduce_sum3A_540 [1, 2] : vector<1x256x128xf32> to vector<1xf32>
    %reduce_sum3A_542 = vector.shape_cast %reduce_sum3A_541 : vector<1xf32> to vector<1x1x1xf32>
    %reduce_sum3A_543 = vector.extract %reduce_sum3A_542[0, 0, 0] : f32 from vector<1x1x1xf32>
    %broadcast_in_dim3A_544 = vector.broadcast %reduce_sum3A_543 : f32 to vector<1x1xf32>
    %add3A_545 = arith.constant 512 : i32
    %add3A_546 = vector.broadcast %add3A_545 : i32 to vector<1x1xi32>
    %add3A_547 = arith.addi %add3A_531, %add3A_546 : vector<1x1xi32>
    %lt3A_548 = vector.broadcast %add3A_547 : vector<1x1xi32> to vector<256x128xi32>
    %lt3A_549 = arith.cmpi slt, %bitcast_convert_type3A, %lt3A_548 : vector<256x128xi32>
    %convert_element_type3A_550 = arith.extui %lt3A_549 : vector<256x128xi1> to vector<256x128xi32>
    %convert_element_type3A_551 = arith.sitofp %convert_element_type3A_550 : vector<256x128xi32> to vector<256x128xf32>
    %reduce_sum3A_552 = vector.shape_cast %convert_element_type3A_551 : vector<256x128xf32> to vector<1x256x128xf32>
    %reduce_sum3A_553 = arith.constant dense<0.000000e+00> : vector<1xf32>
    %reduce_sum3A_554 = vector.multi_reduction <add>, %reduce_sum3A_552, %reduce_sum3A_553 [1, 2] : vector<1x256x128xf32> to vector<1xf32>
    %reduce_sum3A_555 = vector.shape_cast %reduce_sum3A_554 : vector<1xf32> to vector<1x1x1xf32>
    %reduce_sum3A_556 = vector.extract %reduce_sum3A_555[0, 0, 0] : f32 from vector<1x1x1xf32>
    %broadcast_in_dim3A_557 = vector.broadcast %reduce_sum3A_556 : f32 to vector<1x1xf32>
    %add3A_558 = arith.constant 768 : i32
    %add3A_559 = vector.broadcast %add3A_558 : i32 to vector<1x1xi32>
    %add3A_560 = arith.addi %add3A_531, %add3A_559 : vector<1x1xi32>
    %lt3A_561 = vector.broadcast %add3A_560 : vector<1x1xi32> to vector<256x128xi32>
    %lt3A_562 = arith.cmpi slt, %bitcast_convert_type3A, %lt3A_561 : vector<256x128xi32>
    %convert_element_type3A_563 = arith.extui %lt3A_562 : vector<256x128xi1> to vector<256x128xi32>
    %convert_element_type3A_564 = arith.sitofp %convert_element_type3A_563 : vector<256x128xi32> to vector<256x128xf32>
    %reduce_sum3A_565 = vector.shape_cast %convert_element_type3A_564 : vector<256x128xf32> to vector<1x256x128xf32>
    %reduce_sum3A_566 = arith.constant dense<0.000000e+00> : vector<1xf32>
    %reduce_sum3A_567 = vector.multi_reduction <add>, %reduce_sum3A_565, %reduce_sum3A_566 [1, 2] : vector<1x256x128xf32> to vector<1xf32>
    %reduce_sum3A_568 = vector.shape_cast %reduce_sum3A_567 : vector<1xf32> to vector<1x1x1xf32>
    %reduce_sum3A_569 = vector.extract %reduce_sum3A_568[0, 0, 0] : f32 from vector<1x1x1xf32>
    %broadcast_in_dim3A_570 = vector.broadcast %reduce_sum3A_569 : f32 to vector<1x1xf32>
    %lt3A_571 = arith.cmpf olt, %broadcast_in_dim3A_544, %broadcast_in_dim3A_10 : vector<1x1xf32>
    %convert_element_type3A_572 = arith.extui %lt3A_571 : vector<1x1xi1> to vector<1x1xi32>
    %lt3A_573 = arith.cmpf olt, %broadcast_in_dim3A_557, %broadcast_in_dim3A_10 : vector<1x1xf32>
    %convert_element_type3A_574 = arith.extui %lt3A_573 : vector<1x1xi1> to vector<1x1xi32>
    %add3A_575 = arith.addi %convert_element_type3A_572, %convert_element_type3A_574 : vector<1x1xi32>
    %lt3A_576 = arith.cmpf olt, %broadcast_in_dim3A_570, %broadcast_in_dim3A_10 : vector<1x1xf32>
    %convert_element_type3A_577 = arith.extui %lt3A_576 : vector<1x1xi1> to vector<1x1xi32>
    %add3A_578 = arith.addi %add3A_575, %convert_element_type3A_577 : vector<1x1xi32>
    %mul3A_579 = arith.constant 256 : i32
    %mul3A_580 = vector.broadcast %mul3A_579 : i32 to vector<1x1xi32>
    %mul3A_581 = arith.muli %add3A_578, %mul3A_580 : vector<1x1xi32>
    %add3A_582 = arith.addi %add3A_531, %mul3A_581 : vector<1x1xi32>
    %add3A_583 = arith.constant 64 : i32
    %add3A_584 = vector.broadcast %add3A_583 : i32 to vector<1x1xi32>
    %add3A_585 = arith.addi %add3A_582, %add3A_584 : vector<1x1xi32>
    %lt3A_586 = vector.broadcast %add3A_585 : vector<1x1xi32> to vector<256x128xi32>
    %lt3A_587 = arith.cmpi slt, %bitcast_convert_type3A, %lt3A_586 : vector<256x128xi32>
    %convert_element_type3A_588 = arith.extui %lt3A_587 : vector<256x128xi1> to vector<256x128xi32>
    %convert_element_type3A_589 = arith.sitofp %convert_element_type3A_588 : vector<256x128xi32> to vector<256x128xf32>
    %reduce_sum3A_590 = vector.shape_cast %convert_element_type3A_589 : vector<256x128xf32> to vector<1x256x128xf32>
    %reduce_sum3A_591 = arith.constant dense<0.000000e+00> : vector<1xf32>
    %reduce_sum3A_592 = vector.multi_reduction <add>, %reduce_sum3A_590, %reduce_sum3A_591 [1, 2] : vector<1x256x128xf32> to vector<1xf32>
    %reduce_sum3A_593 = vector.shape_cast %reduce_sum3A_592 : vector<1xf32> to vector<1x1x1xf32>
    %reduce_sum3A_594 = vector.extract %reduce_sum3A_593[0, 0, 0] : f32 from vector<1x1x1xf32>
    %broadcast_in_dim3A_595 = vector.broadcast %reduce_sum3A_594 : f32 to vector<1x1xf32>
    %add3A_596 = arith.constant 128 : i32
    %add3A_597 = vector.broadcast %add3A_596 : i32 to vector<1x1xi32>
    %add3A_598 = arith.addi %add3A_582, %add3A_597 : vector<1x1xi32>
    %lt3A_599 = vector.broadcast %add3A_598 : vector<1x1xi32> to vector<256x128xi32>
    %lt3A_600 = arith.cmpi slt, %bitcast_convert_type3A, %lt3A_599 : vector<256x128xi32>
    %convert_element_type3A_601 = arith.extui %lt3A_600 : vector<256x128xi1> to vector<256x128xi32>
    %convert_element_type3A_602 = arith.sitofp %convert_element_type3A_601 : vector<256x128xi32> to vector<256x128xf32>
    %reduce_sum3A_603 = vector.shape_cast %convert_element_type3A_602 : vector<256x128xf32> to vector<1x256x128xf32>
    %reduce_sum3A_604 = arith.constant dense<0.000000e+00> : vector<1xf32>
    %reduce_sum3A_605 = vector.multi_reduction <add>, %reduce_sum3A_603, %reduce_sum3A_604 [1, 2] : vector<1x256x128xf32> to vector<1xf32>
    %reduce_sum3A_606 = vector.shape_cast %reduce_sum3A_605 : vector<1xf32> to vector<1x1x1xf32>
    %reduce_sum3A_607 = vector.extract %reduce_sum3A_606[0, 0, 0] : f32 from vector<1x1x1xf32>
    %broadcast_in_dim3A_608 = vector.broadcast %reduce_sum3A_607 : f32 to vector<1x1xf32>
    %add3A_609 = arith.constant 192 : i32
    %add3A_610 = vector.broadcast %add3A_609 : i32 to vector<1x1xi32>
    %add3A_611 = arith.addi %add3A_582, %add3A_610 : vector<1x1xi32>
    %lt3A_612 = vector.broadcast %add3A_611 : vector<1x1xi32> to vector<256x128xi32>
    %lt3A_613 = arith.cmpi slt, %bitcast_convert_type3A, %lt3A_612 : vector<256x128xi32>
    %convert_element_type3A_614 = arith.extui %lt3A_613 : vector<256x128xi1> to vector<256x128xi32>
    %convert_element_type3A_615 = arith.sitofp %convert_element_type3A_614 : vector<256x128xi32> to vector<256x128xf32>
    %reduce_sum3A_616 = vector.shape_cast %convert_element_type3A_615 : vector<256x128xf32> to vector<1x256x128xf32>
    %reduce_sum3A_617 = arith.constant dense<0.000000e+00> : vector<1xf32>
    %reduce_sum3A_618 = vector.multi_reduction <add>, %reduce_sum3A_616, %reduce_sum3A_617 [1, 2] : vector<1x256x128xf32> to vector<1xf32>
    %reduce_sum3A_619 = vector.shape_cast %reduce_sum3A_618 : vector<1xf32> to vector<1x1x1xf32>
    %reduce_sum3A_620 = vector.extract %reduce_sum3A_619[0, 0, 0] : f32 from vector<1x1x1xf32>
    %broadcast_in_dim3A_621 = vector.broadcast %reduce_sum3A_620 : f32 to vector<1x1xf32>
    %lt3A_622 = arith.cmpf olt, %broadcast_in_dim3A_595, %broadcast_in_dim3A_10 : vector<1x1xf32>
    %convert_element_type3A_623 = arith.extui %lt3A_622 : vector<1x1xi1> to vector<1x1xi32>
    %lt3A_624 = arith.cmpf olt, %broadcast_in_dim3A_608, %broadcast_in_dim3A_10 : vector<1x1xf32>
    %convert_element_type3A_625 = arith.extui %lt3A_624 : vector<1x1xi1> to vector<1x1xi32>
    %add3A_626 = arith.addi %convert_element_type3A_623, %convert_element_type3A_625 : vector<1x1xi32>
    %lt3A_627 = arith.cmpf olt, %broadcast_in_dim3A_621, %broadcast_in_dim3A_10 : vector<1x1xf32>
    %convert_element_type3A_628 = arith.extui %lt3A_627 : vector<1x1xi1> to vector<1x1xi32>
    %add3A_629 = arith.addi %add3A_626, %convert_element_type3A_628 : vector<1x1xi32>
    %mul3A_630 = arith.constant 64 : i32
    %mul3A_631 = vector.broadcast %mul3A_630 : i32 to vector<1x1xi32>
    %mul3A_632 = arith.muli %add3A_629, %mul3A_631 : vector<1x1xi32>
    %add3A_633 = arith.addi %add3A_582, %mul3A_632 : vector<1x1xi32>
    %add3A_634 = arith.constant 16 : i32
    %add3A_635 = vector.broadcast %add3A_634 : i32 to vector<1x1xi32>
    %add3A_636 = arith.addi %add3A_633, %add3A_635 : vector<1x1xi32>
    %lt3A_637 = vector.broadcast %add3A_636 : vector<1x1xi32> to vector<256x128xi32>
    %lt3A_638 = arith.cmpi slt, %bitcast_convert_type3A, %lt3A_637 : vector<256x128xi32>
    %convert_element_type3A_639 = arith.extui %lt3A_638 : vector<256x128xi1> to vector<256x128xi32>
    %convert_element_type3A_640 = arith.sitofp %convert_element_type3A_639 : vector<256x128xi32> to vector<256x128xf32>
    %reduce_sum3A_641 = vector.shape_cast %convert_element_type3A_640 : vector<256x128xf32> to vector<1x256x128xf32>
    %reduce_sum3A_642 = arith.constant dense<0.000000e+00> : vector<1xf32>
    %reduce_sum3A_643 = vector.multi_reduction <add>, %reduce_sum3A_641, %reduce_sum3A_642 [1, 2] : vector<1x256x128xf32> to vector<1xf32>
    %reduce_sum3A_644 = vector.shape_cast %reduce_sum3A_643 : vector<1xf32> to vector<1x1x1xf32>
    %reduce_sum3A_645 = vector.extract %reduce_sum3A_644[0, 0, 0] : f32 from vector<1x1x1xf32>
    %broadcast_in_dim3A_646 = vector.broadcast %reduce_sum3A_645 : f32 to vector<1x1xf32>
    %add3A_647 = arith.constant 32 : i32
    %add3A_648 = vector.broadcast %add3A_647 : i32 to vector<1x1xi32>
    %add3A_649 = arith.addi %add3A_633, %add3A_648 : vector<1x1xi32>
    %lt3A_650 = vector.broadcast %add3A_649 : vector<1x1xi32> to vector<256x128xi32>
    %lt3A_651 = arith.cmpi slt, %bitcast_convert_type3A, %lt3A_650 : vector<256x128xi32>
    %convert_element_type3A_652 = arith.extui %lt3A_651 : vector<256x128xi1> to vector<256x128xi32>
    %convert_element_type3A_653 = arith.sitofp %convert_element_type3A_652 : vector<256x128xi32> to vector<256x128xf32>
    %reduce_sum3A_654 = vector.shape_cast %convert_element_type3A_653 : vector<256x128xf32> to vector<1x256x128xf32>
    %reduce_sum3A_655 = arith.constant dense<0.000000e+00> : vector<1xf32>
    %reduce_sum3A_656 = vector.multi_reduction <add>, %reduce_sum3A_654, %reduce_sum3A_655 [1, 2] : vector<1x256x128xf32> to vector<1xf32>
    %reduce_sum3A_657 = vector.shape_cast %reduce_sum3A_656 : vector<1xf32> to vector<1x1x1xf32>
    %reduce_sum3A_658 = vector.extract %reduce_sum3A_657[0, 0, 0] : f32 from vector<1x1x1xf32>
    %broadcast_in_dim3A_659 = vector.broadcast %reduce_sum3A_658 : f32 to vector<1x1xf32>
    %add3A_660 = arith.constant 48 : i32
    %add3A_661 = vector.broadcast %add3A_660 : i32 to vector<1x1xi32>
    %add3A_662 = arith.addi %add3A_633, %add3A_661 : vector<1x1xi32>
    %lt3A_663 = vector.broadcast %add3A_662 : vector<1x1xi32> to vector<256x128xi32>
    %lt3A_664 = arith.cmpi slt, %bitcast_convert_type3A, %lt3A_663 : vector<256x128xi32>
    %convert_element_type3A_665 = arith.extui %lt3A_664 : vector<256x128xi1> to vector<256x128xi32>
    %convert_element_type3A_666 = arith.sitofp %convert_element_type3A_665 : vector<256x128xi32> to vector<256x128xf32>
    %reduce_sum3A_667 = vector.shape_cast %convert_element_type3A_666 : vector<256x128xf32> to vector<1x256x128xf32>
    %reduce_sum3A_668 = arith.constant dense<0.000000e+00> : vector<1xf32>
    %reduce_sum3A_669 = vector.multi_reduction <add>, %reduce_sum3A_667, %reduce_sum3A_668 [1, 2] : vector<1x256x128xf32> to vector<1xf32>
    %reduce_sum3A_670 = vector.shape_cast %reduce_sum3A_669 : vector<1xf32> to vector<1x1x1xf32>
    %reduce_sum3A_671 = vector.extract %reduce_sum3A_670[0, 0, 0] : f32 from vector<1x1x1xf32>
    %broadcast_in_dim3A_672 = vector.broadcast %reduce_sum3A_671 : f32 to vector<1x1xf32>
    %lt3A_673 = arith.cmpf olt, %broadcast_in_dim3A_646, %broadcast_in_dim3A_10 : vector<1x1xf32>
    %convert_element_type3A_674 = arith.extui %lt3A_673 : vector<1x1xi1> to vector<1x1xi32>
    %lt3A_675 = arith.cmpf olt, %broadcast_in_dim3A_659, %broadcast_in_dim3A_10 : vector<1x1xf32>
    %convert_element_type3A_676 = arith.extui %lt3A_675 : vector<1x1xi1> to vector<1x1xi32>
    %add3A_677 = arith.addi %convert_element_type3A_674, %convert_element_type3A_676 : vector<1x1xi32>
    %lt3A_678 = arith.cmpf olt, %broadcast_in_dim3A_672, %broadcast_in_dim3A_10 : vector<1x1xf32>
    %convert_element_type3A_679 = arith.extui %lt3A_678 : vector<1x1xi1> to vector<1x1xi32>
    %add3A_680 = arith.addi %add3A_677, %convert_element_type3A_679 : vector<1x1xi32>
    %mul3A_681 = arith.constant 16 : i32
    %mul3A_682 = vector.broadcast %mul3A_681 : i32 to vector<1x1xi32>
    %mul3A_683 = arith.muli %add3A_680, %mul3A_682 : vector<1x1xi32>
    %add3A_684 = arith.addi %add3A_633, %mul3A_683 : vector<1x1xi32>
    %add3A_685 = arith.constant 4 : i32
    %add3A_686 = vector.broadcast %add3A_685 : i32 to vector<1x1xi32>
    %add3A_687 = arith.addi %add3A_684, %add3A_686 : vector<1x1xi32>
    %lt3A_688 = vector.broadcast %add3A_687 : vector<1x1xi32> to vector<256x128xi32>
    %lt3A_689 = arith.cmpi slt, %bitcast_convert_type3A, %lt3A_688 : vector<256x128xi32>
    %convert_element_type3A_690 = arith.extui %lt3A_689 : vector<256x128xi1> to vector<256x128xi32>
    %convert_element_type3A_691 = arith.sitofp %convert_element_type3A_690 : vector<256x128xi32> to vector<256x128xf32>
    %reduce_sum3A_692 = vector.shape_cast %convert_element_type3A_691 : vector<256x128xf32> to vector<1x256x128xf32>
    %reduce_sum3A_693 = arith.constant dense<0.000000e+00> : vector<1xf32>
    %reduce_sum3A_694 = vector.multi_reduction <add>, %reduce_sum3A_692, %reduce_sum3A_693 [1, 2] : vector<1x256x128xf32> to vector<1xf32>
    %reduce_sum3A_695 = vector.shape_cast %reduce_sum3A_694 : vector<1xf32> to vector<1x1x1xf32>
    %reduce_sum3A_696 = vector.extract %reduce_sum3A_695[0, 0, 0] : f32 from vector<1x1x1xf32>
    %broadcast_in_dim3A_697 = vector.broadcast %reduce_sum3A_696 : f32 to vector<1x1xf32>
    %add3A_698 = arith.constant 8 : i32
    %add3A_699 = vector.broadcast %add3A_698 : i32 to vector<1x1xi32>
    %add3A_700 = arith.addi %add3A_684, %add3A_699 : vector<1x1xi32>
    %lt3A_701 = vector.broadcast %add3A_700 : vector<1x1xi32> to vector<256x128xi32>
    %lt3A_702 = arith.cmpi slt, %bitcast_convert_type3A, %lt3A_701 : vector<256x128xi32>
    %convert_element_type3A_703 = arith.extui %lt3A_702 : vector<256x128xi1> to vector<256x128xi32>
    %convert_element_type3A_704 = arith.sitofp %convert_element_type3A_703 : vector<256x128xi32> to vector<256x128xf32>
    %reduce_sum3A_705 = vector.shape_cast %convert_element_type3A_704 : vector<256x128xf32> to vector<1x256x128xf32>
    %reduce_sum3A_706 = arith.constant dense<0.000000e+00> : vector<1xf32>
    %reduce_sum3A_707 = vector.multi_reduction <add>, %reduce_sum3A_705, %reduce_sum3A_706 [1, 2] : vector<1x256x128xf32> to vector<1xf32>
    %reduce_sum3A_708 = vector.shape_cast %reduce_sum3A_707 : vector<1xf32> to vector<1x1x1xf32>
    %reduce_sum3A_709 = vector.extract %reduce_sum3A_708[0, 0, 0] : f32 from vector<1x1x1xf32>
    %broadcast_in_dim3A_710 = vector.broadcast %reduce_sum3A_709 : f32 to vector<1x1xf32>
    %add3A_711 = arith.constant 12 : i32
    %add3A_712 = vector.broadcast %add3A_711 : i32 to vector<1x1xi32>
    %add3A_713 = arith.addi %add3A_684, %add3A_712 : vector<1x1xi32>
    %lt3A_714 = vector.broadcast %add3A_713 : vector<1x1xi32> to vector<256x128xi32>
    %lt3A_715 = arith.cmpi slt, %bitcast_convert_type3A, %lt3A_714 : vector<256x128xi32>
    %convert_element_type3A_716 = arith.extui %lt3A_715 : vector<256x128xi1> to vector<256x128xi32>
    %convert_element_type3A_717 = arith.sitofp %convert_element_type3A_716 : vector<256x128xi32> to vector<256x128xf32>
    %reduce_sum3A_718 = vector.shape_cast %convert_element_type3A_717 : vector<256x128xf32> to vector<1x256x128xf32>
    %reduce_sum3A_719 = arith.constant dense<0.000000e+00> : vector<1xf32>
    %reduce_sum3A_720 = vector.multi_reduction <add>, %reduce_sum3A_718, %reduce_sum3A_719 [1, 2] : vector<1x256x128xf32> to vector<1xf32>
    %reduce_sum3A_721 = vector.shape_cast %reduce_sum3A_720 : vector<1xf32> to vector<1x1x1xf32>
    %reduce_sum3A_722 = vector.extract %reduce_sum3A_721[0, 0, 0] : f32 from vector<1x1x1xf32>
    %broadcast_in_dim3A_723 = vector.broadcast %reduce_sum3A_722 : f32 to vector<1x1xf32>
    %lt3A_724 = arith.cmpf olt, %broadcast_in_dim3A_697, %broadcast_in_dim3A_10 : vector<1x1xf32>
    %convert_element_type3A_725 = arith.extui %lt3A_724 : vector<1x1xi1> to vector<1x1xi32>
    %lt3A_726 = arith.cmpf olt, %broadcast_in_dim3A_710, %broadcast_in_dim3A_10 : vector<1x1xf32>
    %convert_element_type3A_727 = arith.extui %lt3A_726 : vector<1x1xi1> to vector<1x1xi32>
    %add3A_728 = arith.addi %convert_element_type3A_725, %convert_element_type3A_727 : vector<1x1xi32>
    %lt3A_729 = arith.cmpf olt, %broadcast_in_dim3A_723, %broadcast_in_dim3A_10 : vector<1x1xf32>
    %convert_element_type3A_730 = arith.extui %lt3A_729 : vector<1x1xi1> to vector<1x1xi32>
    %add3A_731 = arith.addi %add3A_728, %convert_element_type3A_730 : vector<1x1xi32>
    %mul3A_732 = arith.constant 4 : i32
    %mul3A_733 = vector.broadcast %mul3A_732 : i32 to vector<1x1xi32>
    %mul3A_734 = arith.muli %add3A_731, %mul3A_733 : vector<1x1xi32>
    %add3A_735 = arith.addi %add3A_684, %mul3A_734 : vector<1x1xi32>
    %add3A_736 = arith.constant 1 : i32
    %add3A_737 = vector.broadcast %add3A_736 : i32 to vector<1x1xi32>
    %add3A_738 = arith.addi %add3A_735, %add3A_737 : vector<1x1xi32>
    %lt3A_739 = vector.broadcast %add3A_738 : vector<1x1xi32> to vector<256x128xi32>
    %lt3A_740 = arith.cmpi slt, %bitcast_convert_type3A, %lt3A_739 : vector<256x128xi32>
    %convert_element_type3A_741 = arith.extui %lt3A_740 : vector<256x128xi1> to vector<256x128xi32>
    %convert_element_type3A_742 = arith.sitofp %convert_element_type3A_741 : vector<256x128xi32> to vector<256x128xf32>
    %reduce_sum3A_743 = vector.shape_cast %convert_element_type3A_742 : vector<256x128xf32> to vector<1x256x128xf32>
    %reduce_sum3A_744 = arith.constant dense<0.000000e+00> : vector<1xf32>
    %reduce_sum3A_745 = vector.multi_reduction <add>, %reduce_sum3A_743, %reduce_sum3A_744 [1, 2] : vector<1x256x128xf32> to vector<1xf32>
    %reduce_sum3A_746 = vector.shape_cast %reduce_sum3A_745 : vector<1xf32> to vector<1x1x1xf32>
    %reduce_sum3A_747 = vector.extract %reduce_sum3A_746[0, 0, 0] : f32 from vector<1x1x1xf32>
    %broadcast_in_dim3A_748 = vector.broadcast %reduce_sum3A_747 : f32 to vector<1x1xf32>
    %add3A_749 = arith.constant 2 : i32
    %add3A_750 = vector.broadcast %add3A_749 : i32 to vector<1x1xi32>
    %add3A_751 = arith.addi %add3A_735, %add3A_750 : vector<1x1xi32>
    %lt3A_752 = vector.broadcast %add3A_751 : vector<1x1xi32> to vector<256x128xi32>
    %lt3A_753 = arith.cmpi slt, %bitcast_convert_type3A, %lt3A_752 : vector<256x128xi32>
    %convert_element_type3A_754 = arith.extui %lt3A_753 : vector<256x128xi1> to vector<256x128xi32>
    %convert_element_type3A_755 = arith.sitofp %convert_element_type3A_754 : vector<256x128xi32> to vector<256x128xf32>
    %reduce_sum3A_756 = vector.shape_cast %convert_element_type3A_755 : vector<256x128xf32> to vector<1x256x128xf32>
    %reduce_sum3A_757 = arith.constant dense<0.000000e+00> : vector<1xf32>
    %reduce_sum3A_758 = vector.multi_reduction <add>, %reduce_sum3A_756, %reduce_sum3A_757 [1, 2] : vector<1x256x128xf32> to vector<1xf32>
    %reduce_sum3A_759 = vector.shape_cast %reduce_sum3A_758 : vector<1xf32> to vector<1x1x1xf32>
    %reduce_sum3A_760 = vector.extract %reduce_sum3A_759[0, 0, 0] : f32 from vector<1x1x1xf32>
    %broadcast_in_dim3A_761 = vector.broadcast %reduce_sum3A_760 : f32 to vector<1x1xf32>
    %add3A_762 = arith.constant 3 : i32
    %add3A_763 = vector.broadcast %add3A_762 : i32 to vector<1x1xi32>
    %add3A_764 = arith.addi %add3A_735, %add3A_763 : vector<1x1xi32>
    %lt3A_765 = vector.broadcast %add3A_764 : vector<1x1xi32> to vector<256x128xi32>
    %lt3A_766 = arith.cmpi slt, %bitcast_convert_type3A, %lt3A_765 : vector<256x128xi32>
    %convert_element_type3A_767 = arith.extui %lt3A_766 : vector<256x128xi1> to vector<256x128xi32>
    %convert_element_type3A_768 = arith.sitofp %convert_element_type3A_767 : vector<256x128xi32> to vector<256x128xf32>
    %reduce_sum3A_769 = vector.shape_cast %convert_element_type3A_768 : vector<256x128xf32> to vector<1x256x128xf32>
    %reduce_sum3A_770 = arith.constant dense<0.000000e+00> : vector<1xf32>
    %reduce_sum3A_771 = vector.multi_reduction <add>, %reduce_sum3A_769, %reduce_sum3A_770 [1, 2] : vector<1x256x128xf32> to vector<1xf32>
    %reduce_sum3A_772 = vector.shape_cast %reduce_sum3A_771 : vector<1xf32> to vector<1x1x1xf32>
    %reduce_sum3A_773 = vector.extract %reduce_sum3A_772[0, 0, 0] : f32 from vector<1x1x1xf32>
    %broadcast_in_dim3A_774 = vector.broadcast %reduce_sum3A_773 : f32 to vector<1x1xf32>
    %lt3A_775 = arith.cmpf olt, %broadcast_in_dim3A_748, %broadcast_in_dim3A_10 : vector<1x1xf32>
    %convert_element_type3A_776 = arith.extui %lt3A_775 : vector<1x1xi1> to vector<1x1xi32>
    %lt3A_777 = arith.cmpf olt, %broadcast_in_dim3A_761, %broadcast_in_dim3A_10 : vector<1x1xf32>
    %convert_element_type3A_778 = arith.extui %lt3A_777 : vector<1x1xi1> to vector<1x1xi32>
    %add3A_779 = arith.addi %convert_element_type3A_776, %convert_element_type3A_778 : vector<1x1xi32>
    %lt3A_780 = arith.cmpf olt, %broadcast_in_dim3A_774, %broadcast_in_dim3A_10 : vector<1x1xf32>
    %convert_element_type3A_781 = arith.extui %lt3A_780 : vector<1x1xi1> to vector<1x1xi32>
    %add3A_782 = arith.addi %add3A_779, %convert_element_type3A_781 : vector<1x1xi32>
    %mul3A_783 = arith.constant 1 : i32
    %mul3A_784 = vector.broadcast %mul3A_783 : i32 to vector<1x1xi32>
    %mul3A_785 = arith.muli %add3A_782, %mul3A_784 : vector<1x1xi32>
    %add3A_786 = arith.addi %add3A_735, %mul3A_785 : vector<1x1xi32>
    %lt3A_787 = vector.broadcast %add3A_786 : vector<1x1xi32> to vector<256x128xi32>
    %lt3A_788 = arith.cmpi slt, %bitcast_convert_type3A, %lt3A_787 : vector<256x128xi32>
    %convert_element_type3A_789 = arith.extui %lt3A_788 : vector<256x128xi1> to vector<256x128xi32>
    %convert_element_type3A_790 = arith.sitofp %convert_element_type3A_789 : vector<256x128xi32> to vector<256x128xf32>
    %reduce_sum3A_791 = vector.shape_cast %convert_element_type3A_790 : vector<256x128xf32> to vector<1x256x128xf32>
    %reduce_sum3A_792 = arith.constant dense<0.000000e+00> : vector<1xf32>
    %reduce_sum3A_793 = vector.multi_reduction <add>, %reduce_sum3A_791, %reduce_sum3A_792 [1, 2] : vector<1x256x128xf32> to vector<1xf32>
    %reduce_sum3A_794 = vector.shape_cast %reduce_sum3A_793 : vector<1xf32> to vector<1x1x1xf32>
    %reduce_sum3A_795 = vector.extract %reduce_sum3A_794[0, 0, 0] : f32 from vector<1x1x1xf32>
    %broadcast_in_dim3A_796 = vector.broadcast %reduce_sum3A_795 : f32 to vector<1x1xf32>
    %ge3A_797 = arith.constant 2.949100e+04 : f32
    %ge3A_798 = vector.broadcast %ge3A_797 : f32 to vector<1x1xf32>
    %ge3A_799 = arith.cmpf oge, %broadcast_in_dim3A_796, %ge3A_798 : vector<1x1xf32>
    %gt3A = vector.broadcast %add3A_786 : vector<1x1xi32> to vector<256x128xi32>
    %gt3A_800 = arith.cmpi sgt, %bitcast_convert_type3A, %gt3A : vector<256x128xi32>
    %ge3A_801 = vector.broadcast %add3A_786 : vector<1x1xi32> to vector<256x128xi32>
    %ge3A_802 = arith.cmpi sge, %bitcast_convert_type3A, %ge3A_801 : vector<256x128xi32>
    %and3A = vector.broadcast %ge3A_799 : vector<1x1xi1> to vector<256x128xi1>
    %and3A_803 = arith.andi %ge3A_802, %and3A : vector<256x128xi1>
    %or3A = arith.ori %gt3A_800, %and3A_803 : vector<256x128xi1>
    %convert_element_type3A_804 = arith.extui %or3A : vector<256x128xi1> to vector<256x128xi32>
    %convert_element_type3A_805 = arith.sitofp %convert_element_type3A_804 : vector<256x128xi32> to vector<256x128xf32>
    %atan23A = math.atan2 %get3A_8, %get3A_3 : vector<256x128xf32>
    %mul3A_806 = arith.constant 0.909090936 : f32
    %mul3A_807 = vector.broadcast %mul3A_806 : f32 to vector<256x128xf32>
    %mul3A_808 = arith.mulf %atan23A, %mul3A_807 : vector<256x128xf32>
    %add3A_809 = arith.constant 3.14159274 : f32
    %add3A_810 = vector.broadcast %add3A_809 : f32 to vector<256x128xf32>
    %add3A_811 = arith.addf %mul3A_808, %add3A_810 : vector<256x128xf32>
    %sub3A = arith.constant 3.14159274 : f32
    %sub3A_812 = vector.broadcast %sub3A : f32 to vector<256x128xf32>
    %sub3A_813 = arith.subf %add3A_811, %sub3A_812 : vector<256x128xf32>
    %add3A_814 = arith.constant 3.14159274 : f32
    %add3A_815 = vector.broadcast %add3A_814 : f32 to vector<256x128xf32>
    %add3A_816 = arith.addf %sub3A_813, %add3A_815 : vector<256x128xf32>
    %div3A = arith.constant 6.28318548 : f32
    %div3A_817 = vector.broadcast %div3A : f32 to vector<256x128xf32>
    %div3A_818 = arith.divf %add3A_816, %div3A_817 : vector<256x128xf32>
    %mul3A_819 = arith.constant 6.400000e+01 : f32
    %mul3A_820 = vector.broadcast %mul3A_819 : f32 to vector<256x128xf32>
    %mul3A_821 = arith.mulf %div3A_818, %mul3A_820 : vector<256x128xf32>
    %floor3A = math.floor %mul3A_821 : vector<256x128xf32>
    %jit3A = arith.constant 0.000000e+00 : f32
    %jit3A_822 = arith.constant 6.300000e+01 : f32
    %max3A = vector.broadcast %jit3A : f32 to vector<256x128xf32>
    %max3A_823 = arith.maximumf %max3A, %floor3A : vector<256x128xf32>
    %min3A = vector.broadcast %jit3A_822 : f32 to vector<256x128xf32>
    %min3A_824 = arith.minimumf %min3A, %max3A_823 : vector<256x128xf32>
    %eq3A = arith.constant 6.300000e+01 : f32
    %eq3A_825 = vector.broadcast %eq3A : f32 to vector<256x128xf32>
    %eq3A_826 = arith.cmpf oeq, %min3A_824, %eq3A_825 : vector<256x128xf32>
    %add3A_827 = arith.constant 1.000000e+00 : f32
    %add3A_828 = vector.broadcast %add3A_827 : f32 to vector<256x128xf32>
    %add3A_829 = arith.addf %min3A_824, %add3A_828 : vector<256x128xf32>
    %jit3A_830 = arith.constant 0.000000e+00 : f32
    %broadcast_in_dim3A_831 = vector.broadcast %jit3A_830 : f32 to vector<256x128xf32>
    %select_n3A_832 = arith.select %eq3A_826, %broadcast_in_dim3A_831, %add3A_829 : vector<256x128xi1>, vector<256x128xf32>
    %add3A_833 = arith.constant 5.000000e-01 : f32
    %add3A_834 = vector.broadcast %add3A_833 : f32 to vector<256x128xf32>
    %add3A_835 = arith.addf %min3A_824, %add3A_834 : vector<256x128xf32>
    %mul3A_836 = arith.constant 0.0981747731 : f32
    %mul3A_837 = vector.broadcast %mul3A_836 : f32 to vector<256x128xf32>
    %mul3A_838 = arith.mulf %add3A_835, %mul3A_837 : vector<256x128xf32>
    %add3A_839 = arith.constant -3.14159274 : f32
    %add3A_840 = vector.broadcast %add3A_839 : f32 to vector<256x128xf32>
    %add3A_841 = arith.addf %add3A_840, %mul3A_838 : vector<256x128xf32>
    %add3A_842 = arith.constant 5.000000e-01 : f32
    %add3A_843 = vector.broadcast %add3A_842 : f32 to vector<256x128xf32>
    %add3A_844 = arith.addf %select_n3A_832, %add3A_843 : vector<256x128xf32>
    %mul3A_845 = arith.constant 0.0981747731 : f32
    %mul3A_846 = vector.broadcast %mul3A_845 : f32 to vector<256x128xf32>
    %mul3A_847 = arith.mulf %add3A_844, %mul3A_846 : vector<256x128xf32>
    %add3A_848 = arith.constant -3.14159274 : f32
    %add3A_849 = vector.broadcast %add3A_848 : f32 to vector<256x128xf32>
    %add3A_850 = arith.addf %add3A_849, %mul3A_847 : vector<256x128xf32>
    %sub3A_851 = arith.subf %sub3A_813, %add3A_841 : vector<256x128xf32>
    %abs3A = math.absf %sub3A_851 : vector<256x128xf32>
    %sub3A_852 = arith.constant 6.28318548 : f32
    %sub3A_853 = vector.broadcast %sub3A_852 : f32 to vector<256x128xf32>
    %sub3A_854 = arith.subf %sub3A_853, %abs3A : vector<256x128xf32>
    %min3A_855 = arith.minimumf %abs3A, %sub3A_854 : vector<256x128xf32>
    %sub3A_856 = arith.subf %sub3A_813, %add3A_850 : vector<256x128xf32>
    %abs3A_857 = math.absf %sub3A_856 : vector<256x128xf32>
    %sub3A_858 = arith.constant 6.28318548 : f32
    %sub3A_859 = vector.broadcast %sub3A_858 : f32 to vector<256x128xf32>
    %sub3A_860 = arith.subf %sub3A_859, %abs3A_857 : vector<256x128xf32>
    %min3A_861 = arith.minimumf %abs3A_857, %sub3A_860 : vector<256x128xf32>
    %mul3A_862 = arith.constant -6.400000e+01 : f32
    %mul3A_863 = vector.broadcast %mul3A_862 : f32 to vector<256x128xf32>
    %mul3A_864 = arith.mulf %min3A_855, %mul3A_863 : vector<256x128xf32>
    %exp3A = math.exp %mul3A_864 : vector<256x128xf32>
    %mul3A_865 = arith.constant -6.400000e+01 : f32
    %mul3A_866 = vector.broadcast %mul3A_865 : f32 to vector<256x128xf32>
    %mul3A_867 = arith.mulf %min3A_861, %mul3A_866 : vector<256x128xf32>
    %exp3A_868 = math.exp %mul3A_867 : vector<256x128xf32>
    %mul3A_869 = arith.mulf %convert_element_type3A_805, %exp3A_868 : vector<256x128xf32>
    %add3A_870 = arith.addf %exp3A, %mul3A_869 : vector<256x128xf32>
    %add3A_871 = arith.addf %exp3A, %exp3A_868 : vector<256x128xf32>
    %mul3A_872 = arith.constant 9.99999971E-10 : f32
    %mul3A_873 = vector.broadcast %mul3A_872 : f32 to vector<256x128xf32>
    %mul3A_874 = arith.mulf %mul3A_873, %add3A_871 : vector<256x128xf32>
    %add3A_875 = arith.addf %add3A_870, %mul3A_874 : vector<256x128xf32>
    %swap3A = arith.constant 0 : index
    %swap3A_876 = arith.constant 0 : index
    %swap3A_877 = arith.constant 0 : index
    %swap3A_878 = vector.load %arg1[%swap3A, %swap3A_876, %swap3A_877] : memref<3x256x128xf32, #tpu.memory_space<vmem>>, vector<1x256x128xf32>
    %swap3A_879 = vector.shape_cast %swap3A_878 : vector<1x256x128xf32> to vector<256x128xf32>
    %swap3A_880 = vector.shape_cast %min3A_824 : vector<256x128xf32> to vector<1x256x128xf32>
    tpu.vector_store %arg1[%swap3A, %swap3A_876, %swap3A_877], %swap3A_880 {strides = array<i32>} : memref<3x256x128xf32, #tpu.memory_space<vmem>>, vector<1x256x128xf32>,
    %div3A_881 = arith.divf %exp3A, %add3A_875 : vector<256x128xf32>
    %swap3A_882 = arith.constant 1 : index
    %swap3A_883 = arith.constant 0 : index
    %swap3A_884 = arith.constant 0 : index
    %swap3A_885 = vector.load %arg1[%swap3A_882, %swap3A_883, %swap3A_884] : memref<3x256x128xf32, #tpu.memory_space<vmem>>, vector<1x256x128xf32>
    %swap3A_886 = vector.shape_cast %swap3A_885 : vector<1x256x128xf32> to vector<256x128xf32>
    %swap3A_887 = vector.shape_cast %div3A_881 : vector<256x128xf32> to vector<1x256x128xf32>
    tpu.vector_store %arg1[%swap3A_882, %swap3A_883, %swap3A_884], %swap3A_887 {strides = array<i32>} : memref<3x256x128xf32, #tpu.memory_space<vmem>>, vector<1x256x128xf32>,
    %mul3A_888 = arith.mulf %convert_element_type3A_805, %exp3A_868 : vector<256x128xf32>
    %div3A_889 = arith.divf %mul3A_888, %add3A_875 : vector<256x128xf32>
    %swap3A_890 = arith.constant 2 : index
    %swap3A_891 = arith.constant 0 : index
    %swap3A_892 = arith.constant 0 : index
    %swap3A_893 = vector.load %arg1[%swap3A_890, %swap3A_891, %swap3A_892] : memref<3x256x128xf32, #tpu.memory_space<vmem>>, vector<1x256x128xf32>
    %swap3A_894 = vector.shape_cast %swap3A_893 : vector<1x256x128xf32> to vector<256x128xf32>
    %swap3A_895 = vector.shape_cast %div3A_889 : vector<256x128xf32> to vector<1x256x128xf32>
    tpu.vector_store %arg1[%swap3A_890, %swap3A_891, %swap3A_892], %swap3A_895 {strides = array<i32>} : memref<3x256x128xf32, #tpu.memory_space<vmem>>, vector<1x256x128xf32>,
    return
  }
}

</mosaic_0001>

<sc_bundles>
// kernel: kernel.4.cloned.1.call-start
scs
__scs_entry_jumppad:
0x0: {  	(pc) =	sbr.rel $0x88, $3  }
0x1: {  	(tag) =	ssettag $0x0;
	lr =	simm.s32 $0x1  }
0x2: {  	[smem:$0x3FA0] =	sst lr;
	_ =	strace $0xD0000000  }
0x3: {  	_ = 	snop  }
0x4: {  	_ = 	snop  }
0x5: {  	_ = 	snop  }
0x6: {  	_ = 	snop  }
0x7: {  	_ = 	snop  }
__scs_overlays_trampoline_lowered:
0x8: {  	[smem:$0x3FAF] =	sst s0  }
0x9: {  	[smem:$0x3FB0] =	sst s1  }
0xa: {  	[smem:$0x3FB1] =	sst s2  }
0xb: {  	[smem:$0x3FB2] =	sst s3  }
0xc: {  	[smem:$0x3FB3] =	sst s4  }
0xd: {  	[smem:$0x3FB4] =	sst s5  }
0xe: {  	[smem:$0x3FB5] =	sst s6  }
0xf: {  	[smem:$0x3FB6] =	sst s7  }
0x10: {  	[smem:$0x3FB7] =	sst s8  }
0x11: {  	[smem:$0x3FB8] =	sst s9;
	s0 =	simm.s32 @!p0 $0x0  }
0x12: {  	s1 =	sld [smem:$0x3F9E];
	s0 =	simm.s32 @p0 $0x1  }
0x13: {  	[smem:$0x3FB9] =	sst s0;
	s0 =	simm.s32 @!p1 $0x0  }
0x14: {  	s2 =	sld [smem:$0x3F9D];
	s0 =	simm.s32 @p1 $0x1  }
0x15: {  	[smem:$0x3FBA] =	sst s0;
	s0 =	simm.s32 @!p2 $0x0  }
0x16: {  	s3 =	sld [smem:$0x3FDB];
	s0 =	simm.s32 @p2 $0x1  }
0x17: {  	s4 =	simm.s32 $0x1BF5;
	[smem:$0x3FBC] =	sst s0  }
0x18: {  	s0 =	sld [smem:$0x3F9F];
	_ =	swait.ge [sflag:s4], $0x0  }
0x19: {  	s7 =	sld [smem:$0x3FA0]  }
0x1a: {  	s8 =	sadd.s32 $0xFFFFE003, lr  }
0x1b: {  	s9 =	sadd.s32 $0xFFFFFEF7, lr;
	s5 =	simm.s32 $0xFFFFFFFF;
	p2 =	slt.u32 s8, $0xFFFFF086  }
0x1c: {  	p1 =	slt.u32 s9, $0xF7A;
	s5 =	simm.s32 @!p2 $0x0  }
0x1d: {  	s5 =	simm.s32 @p1 $0x1;
	p0 =	seq.s32 s7, s2  }
0x1e: {  	s7 =	smul.u32 @!p0 $0xF7A, s2;
	p2 =	seq.s32 @!p0 s5, $0x0  }
0x1f: {  	s9 =	smul.u32 $0xF7A, s1;
	s8 =	simm.s32 @!p0 $0x1BF5;
	p2 =	por !p2, p0  }
0x20: {  	[sflag:s8] =	ssyncset.s32 @!p0 $0xFFFFF086;
	s6 =	sadd.s32 @!p0 s3, s7;
	s7 =	simm.s32 @!p0 $0x108  }
0x21: {  	s3 =	sadd.s32 s3, s9;
	s6 =	sadd.s32 @!p0 $0x88, s6;
	s7 =	simm.s32 @p2 $0x1082  }
0x22: {  	[simem:s7], [sflag:s8] =	dma.local @!p0 [hbm:s6], $0xF7A  }
0x23: {  	s9 =	sor.u32 $0xD0000000, s2;
	s6 =	simm.s32 $0x108;
	_ =	swait.ge @!p0 [sflag:s8], $0x0  }
0x24: {  	s3 =	sadd.s32 $0x88, s3;
	s6 =	simm.s32 @!p1 $0x1082;
	[sflag:s4] =	ssyncset.s32 $0xFFFFF086  }
0x25: {  	[simem:s6], [sflag:s4] =	dma.local [hbm:s3], $0xF7A  }
0x26: {  	[smem:$0x3FA0] =	sst s1;
	(tag) =	ssettag s2;
	_ =	strace s9  }
0x27: {  	s1 =	sld [smem:$0x3FB0]  }
0x28: {  	s2 =	sld [smem:$0x3FB1]  }
0x29: {  	s4 =	sld [smem:$0x3FB3]  }
0x2a: {  	p0 =	seq.s32 s5, $0x0;
	s5 =	sld [smem:$0x3FB4]  }
0x2b: {  	s6 =	sld [smem:$0x3FB5]  }
0x2c: {  	s7 =	sld [smem:$0x3FB6]  }
0x2d: {  	s3 =	simm.s32 $0x108;
	s8 =	sld [smem:$0x3FB7]  }
0x2e: {  	s3 =	simm.s32 @!p0 $0x1082;
	s9 =	sld [smem:$0x3FB8]  }
0x2f: {  	lr =	sadd.s32 s0, s3;
	s0 =	sld [smem:$0x3FAF]  }
0x30: {  	s3 =	sld [smem:$0x3FB2]  }
0x31: {  	[smem:$0x3FBB] =	sst s10  }
0x32: {  	s10 =	sld [smem:$0x3FB9];
	_ =	sdelay $0x3  }
0x33: {  	p0 =	seq.s32 s10, $0x1;
	s10 =	sld [smem:$0x3FBB];
	_ =	sdelay $0x3  }
0x34: {  	[smem:$0x3FBB] =	sst s10  }
0x35: {  	s10 =	sld [smem:$0x3FBA];
	_ =	sdelay $0x3  }
0x36: {  	p1 =	seq.s32 s10, $0x1;
	s10 =	sld [smem:$0x3FBB];
	_ =	sdelay $0x3  }
0x37: {  	[smem:$0x3FBB] =	sst s10  }
0x38: {  	s10 =	sld [smem:$0x3FBC]  }
0x39: {  	_ = 	snop;
	(pc) =	sbr.ind lr, $3  }
0x3a: {  	_ = 	snop  }
0x3b: {  	_ = 	snop  }
0x3c: {  	p2 =	seq.s32 s10, $0x1;
	s10 =	sld [smem:$0x3FBB]  }
0x3d: {  	_ =	shalt  }
0x3e: {  	_ =	shalt  }
0x3f: {  	_ =	shalt  }
0x40: {  	_ =	shalt  }
0x41: {  	_ =	shalt  }
0x42: {  	_ =	shalt  }
0x43: {  	_ =	shalt  }
0x44: {  	_ =	shalt  }
0x45: {  	_ =	shalt  }
0x46: {  	_ =	shalt  }
0x47: {  	_ =	shalt  }
0x48: {  	_ =	shalt  }
0x49: {  	_ =	shalt  }
0x4a: {  	_ =	shalt  }
0x4b: {  	_ =	shalt  }
0x4c: {  	_ =	shalt  }
0x4d: {  	_ =	shalt  }
0x4e: {  	_ =	shalt  }
0x4f: {  	_ =	shalt  }
0x50: {  	_ =	shalt  }
0x51: {  	_ =	shalt  }
0x52: {  	_ =	shalt  }
0x53: {  	_ =	shalt  }
0x54: {  	_ =	shalt  }
0x55: {  	_ =	shalt  }
0x56: {  	_ =	shalt  }
0x57: {  	_ =	shalt  }
0x58: {  	_ =	shalt  }
0x59: {  	_ =	shalt  }
0x5a: {  	_ =	shalt  }
0x5b: {  	_ =	shalt  }
0x5c: {  	_ =	shalt  }
0x5d: {  	_ =	shalt  }
0x5e: {  	_ =	shalt  }
0x5f: {  	_ =	shalt  }
0x60: {  	_ =	shalt  }
0x61: {  	_ =	shalt  }
0x62: {  	_ =	shalt  }
0x63: {  	_ =	shalt  }
0x64: {  	_ =	shalt  }
0x65: {  	_ =	shalt  }
0x66: {  	_ =	shalt  }
0x67: {  	_ =	shalt  }
0x68: {  	_ =	shalt  }
0x69: {  	_ =	shalt  }
0x6a: {  	_ =	shalt  }
0x6b: {  	_ =	shalt  }
0x6c: {  	_ =	shalt  }
0x6d: {  	_ =	shalt  }
0x6e: {  	_ =	shalt  }
0x6f: {  	_ =	shalt  }
0x70: {  	_ =	shalt  }
0x71: {  	_ =	shalt  }
0x72: {  	_ =	shalt  }
0x73: {  	_ =	shalt  }
0x74: {  	_ =	shalt  }
0x75: {  	_ =	shalt  }
0x76: {  	_ =	shalt  }
0x77: {  	_ =	shalt  }
0x78: {  	_ =	shalt  }
0x79: {  	_ =	shalt  }
0x7a: {  	_ =	shalt  }
0x7b: {  	_ =	shalt  }
0x7c: {  	_ =	shalt  }
0x7d: {  	_ =	shalt  }
0x7e: {  	_ =	shalt  }
0x7f: {  	_ =	shalt  }
0x80: {  	_ =	shalt  }
0x81: {  	_ =	shalt  }
0x82: {  	_ =	shalt  }
0x83: {  	_ =	shalt  }
0x84: {  	_ =	shalt  }
0x85: {  	_ =	shalt  }
0x86: {  	_ =	shalt  }
0x87: {  	_ =	shalt  }
.Lfunc_end0:
.L_simem_size_0:
called_computation_lowered:
.L_overlay_start_0:
0x88: {  	s2 =	sld [smem:$0x3FD9]  }
0x89: {  	s3 =	sld [smem:$0x3FFE];
	_ =	sdelay $0x1  }
0x8a: {  	s1 =	srdreg.scid  }
0x8b: {  	s0 =	sand.u32 $0x1, s1  }
0x8c: {  	s17 =	sshll.u32 s0, $0xA;
	s2 =	sadd.s32 s3, s2  }
0x8d: {  	s2 =	sadd.s32 s2, s17  }
0x8e: {  	[smem:$0x3FC7] =	sst s2  }
0x8f: {  	_ = 	snop  }
0x90: {  	s2 =	sld [smem:$0x3FD0];
	(tm) =	ssettm $0x1  }
0x91: {  	s18 =	sld [smem:$0x3FFB];
	_ =	sdelay $0x3  }
0x92: {  	_ =	strace s18  }
0x93: {  	s3 =	sld [smem:$0x3FFC];
	_ =	sdelay $0x3  }
0x94: {  	_ =	strace s3  }
0x95: {  	s3 =	sld [smem:$0x3FFD];
	_ =	sdelay $0x3  }
0x96: {  	_ =	strace s3  }
0x97: {  	_ =	strace $0x8FFFFFFF  }
0x98: {  	s19 =	sld [smem:$0x3FDB];
	_ =	sdelay $0x1  }
0x99: {  	s4 =	simm.s32 $_scs_section_size  }
0x9a: {  	s5 =	simm.s32 $_size__tile_overlayer_lowered;
	s6 =	simm.s32 $_tile_overlayer_lowered  }
0x9b: {  	s22 =	simm.s32 $0x1BFF;
	s21 =	sshll.u32 s6, $0x1;
	s3 =	sadd.s32 s4, s19  }
0x9c: {  	s7 =	simm.s32 $0x0;
	s20 =	sshll.u32 s5, $0x1;
	s5 =	sadd.s32 s21, s3  }
0x9d: {  	[timem:s7], [sflag:s22] =	dma.local [hbm:s5], s20  }
0x9e: {  	_ =	swait.ge [sflag:s22], s20  }
0x9f: {  	s4 =	ssub.s32 $0x0, s20;
	[sflag:s22] =	ssyncset.done $0x0  }
0xa0: {  	[sflag:s22] =	ssyncadd.s32 s4;
	_ =	sdelay $0x1  }
0xa1: {  	s23 =	simm.s32 $0x1B8B  }
0xa2: {  	_ =	swait.ge [sflag:s23], $0x1  }
0xa3: {  	[sflag:s23] =	ssyncset.done $0x0  }
0xa4: {  	s25 =	simm.s32 $0x1B8E;
	s24 =	sld [smem:$0x3FFE];
	[sflag:s23] =	ssyncadd.s32 $0xFFFFFFFF  }
0xa5: {  	s26 =	simm.s32 $execute0_lowered;
	[smem:$0x3FD2] =	sst s25  }
0xa6: {  	s5 =	sshll.u32 s26, $0x1;
	_ =	strace $0x80000046;
	[dreg:$0x1] =	wrdreg $0xFFFFFFFF  }
0xa7: {  	s28 =	simm.s32 $_size_execute0_lowered;
	s3 =	sadd.s32 s3, s5;
	[dreg:$0x0] =	wrdreg $0x0  }
0xa8: {  	s5 =	sshll.u32 s28, $0x1;
	[dreg:$0x2] =	wrdreg s3  }
0xa9: {  	[dreg:$0x3] =	wrdreg s5  }
0xaa: {  	[dreg:$0x4] =	wrdreg $0xC0  }
0xab: {  	_ =	task [dreg:s7], $0x5FFFF  }
0xac: {  	[dreg:$0x1] =	wrdreg $0xFFFFFFFF  }
0xad: {  	[dreg:$0x0] =	wrdreg $0x60  }
0xae: {  	[dreg:$0x2] =	wrdreg s24  }
0xaf: {  	[dreg:$0x3] =	wrdreg s2  }
0xb0: {  	[dreg:$0x4] =	wrdreg $0x9  }
0xb1: {  	_ =	task.clear_ibuf [dreg:s7], $0x5FFFF;
	_ =	strace $0x90000046  }
0xb2: {  	s29 =	simm.s32 $0x9;
	_ =	strace $0x80000048  }
0xb3: {  	_ =	swait.ge [sflag:s29], $0x1  }
0xb4: {  	[sflag:s29] =	ssyncadd.s32 $0xFFFFFFFF  }
0xb5: {  	_ =	strace $0x90000048  }
0xb6: {  	_ =	sfence  }
0xb7: {  	s30 =	sld [smem:$0x0];
	_ =	sdelay $0x2  }
0xb8: {  	s31 =	sshll.u32 s1, $0xD;
	s1 =	sshrl.u32 s1, $0x2  }
0xb9: {  	s3 =	sand.u32 $0x4000, s31;
	s1 =	sadd.s32 s1, s30  }
0xba: {  	s0 =	sor.u32 s3, s0;
	s1 =	sshll.u32 s1, $0x11  }
0xbb: {  	s0 =	sor.u32 s1, s0  }
0xbc: {  	s0 =	sadd.s32 $0x8F2B, s0  }
0xbd: {  	[sflag:s0] =	ssyncadd.remote.s32 $0x1  }
0xbe: {  	_ =	sfence.sel $0xFFFF  }
0xbf: {  	[dreg:$0x0] =	wrdreg $0xFFFFFFFF;
	(pc) =	sbr.abs _section_cstart, $3  }
0xc0: {  	[dreg:$0x1] =	wrdreg $0xFFFFFFFF  }
0xc1: {  	_ =	task.clear_ibuf [dreg:s7], $0x2FFFF;
	_ =	strace $0x9FFFFFFF  }
0xc2: {  	(tm) =	ssettm $0x7FFFFFFF  }
0xc3: {  	_ =	shalt  }
tec
execute0_lowered:
.L_overlay_start_1:
0x0: {  	(tag) =	ssettag $0x1  }
0x1: {  	s3 =	rddreg [dreg:$0x0]  }
0x2: {  	s4 =	rddreg [dreg:$0x1]  }
0x3: {  	s0 =	rddreg [dreg:$0x2];
	s5 =	srdreg.scid  }
0x4: {  	s1 =	stileid.u32;
	s2 =	simm.s32 $0x0;
	s10 =	simm.s32 $0x1  }
0x5: {  	s11 =	simm.s32 $0xC00;
	s12 =	simm.s32 $0x2000;
	s13 =	simm.s32 $0x10000  }
0x6: {  	s14 =	simm.s32 $0x2;
	s15 =	simm.s32 $0x0;
	s5 =	sand.u32 $0x1, s5  }
0x7: {  	s6 =	sshll.u32 s1, $0x1;
	[smem:$0x7FF] =	sst s2;
	s8 =	sshll.u32 s1, $0xE  }
0x8: {  	s6 =	sor.u32 s5, s6;
	_ =	strace $0x80000047;
	s5 =	ssub.s32 $0x2, s5  }
0x9: {  	s31 =	sand.u32 $0x30000, s8;
	s7 =	sshll.u32 s6, $0x7;
	s30 =	sshrl.u32 s5, $0x1  }
0xa: {  	s6 =	sshll.u32 s6, $0xA;
	s8 =	sadd.s32 s4, s31;
	s7 =	sadd.s32 s7, s3  }
0xb: {  	s9 =	ssub.s32 s5, s30;
	s6 =	sand.u32 $0x1C00, s6;
	s3 =	sadd.s32 $0x200, s7  }
0xc: {  	s4 =	sadd.s32 $0x1200, s7;
	s5 =	sadd.s32 $0x2200, s7;
	s6 =	sadd.s32 s6, s8  }
0xd: {  	v0 =	vimm.f32 $0.0e+00;
	v1 =	vlaneseq.u32;
	s7 =	smax.u32 s9, $0x1;
	s8 =	simm.s32 $0x400;
	s9 =	simm.s32 $0x800  }
.LBB2_1:
0xe: {  	[tilespmem:s2], [sflag:$0x1] =	stream.linear.gather [hbm4b:s3+s2], $0x400, $0x38;
	[tilespmem:$0x10C00] =	vst v63  }
0xf: {  	s16 =	sand.u32 $0x6000, s2;
	s17 =	simm.s32 $0x0  }
0x10: {  	s18 =	simm.s32 $0x0;
	s17 =	sand.u32 $0xE000, s17;
	s16 =	sshrl.u32 s16, $0x2  }
0x11: {  	[tilespmem:s8], [sflag:$0x1] =	stream.linear.gather [hbm4b:s4+s2], $0x400, $0x38;
	[tilespmem:$0x10C00] =	vst v63  }
0x12: {  	s18 =	sand.u32 $0x380, s18;
	s16 =	sor.u32 s16, s17  }
0x13: {  	s16 =	sor.u32 s18, s16  }
0x14: {  	[tilespmem:s9], [sflag:$0x1] =	stream.linear.gather [hbm4b:s5+s2], $0x400, $0x38;
	[tilespmem:$0x10C00] =	vst v63  }
0x15: {  	[tilespmem:s16+$0x1070] =	vst v0  }
0x16: {  	[tilespmem:s16+$0xC00] =	vst v0  }
0x17: {  	[tilespmem:s16+$0xC10] =	vst v0  }
0x18: {  	[tilespmem:s16+$0xC20] =	vst v0  }
0x19: {  	[tilespmem:s16+$0xC30] =	vst v0  }
0x1a: {  	[tilespmem:s16+$0xC40] =	vst v0  }
0x1b: {  	[tilespmem:s16+$0xC50] =	vst v0  }
0x1c: {  	[tilespmem:s16+$0xC60] =	vst v0  }
0x1d: {  	[tilespmem:s16+$0xC70] =	vst v0  }
0x1e: {  	[tilespmem:s16+$0x1000] =	vst v0  }
0x1f: {  	[tilespmem:s16+$0x1010] =	vst v0  }
0x20: {  	s19 =	simm.s32 $0x20;
	s17 =	simm.s32 $0x2000;
	[tilespmem:s16+$0x1020] =	vst v0  }
0x21: {  	s21 =	simm.s32 $0x100;
	s20 =	sand.u32 $0x6000, s17;
	s18 =	simm.s32 $0x2;
	[tilespmem:s16+$0x1030] =	vst v0  }
.LBB2_2:
0x22: {  	p0 =	sne.s32 s18, $0xFF;
	s21 =	sand.u32 $0xE000, s21;
	s20 =	sshrl.u32 s20, $0x2;
	[tilespmem:s16+$0x1040] =	vst v0  }
0x23: {  	s19 =	sand.u32 $0x380, s19;
	s20 =	sor.u32 s20, s21;
	[tilespmem:s16+$0x1050] =	vst v0  }
0x24: {  	[tilespmem:s16+$0x1060] =	vst v0;
	s16 =	sor.u32 s19, s20  }
0x25: {  	[tilespmem:s16+$0x1070] =	vst v0  }
0x26: {  	[tilespmem:s16+$0xC00] =	vst v0  }
0x27: {  	[tilespmem:s16+$0xC10] =	vst v0  }
0x28: {  	[tilespmem:s16+$0xC20] =	vst v0  }
0x29: {  	[tilespmem:s16+$0xC30] =	vst v0  }
0x2a: {  	[tilespmem:s16+$0xC40] =	vst v0  }
0x2b: {  	[tilespmem:s16+$0xC50] =	vst v0  }
0x2c: {  	[tilespmem:s16+$0xC60] =	vst v0  }
.Ltmp0:
0x2d: {  	[tilespmem:s16+$0xC70] =	vst v0;
	(pc) =	sbr.rel @p0 .LBB2_2-.Ltmp0, $4  }
0x2e: {  	[tilespmem:s16+$0x1000] =	vst v0  }
0x2f: {  	[tilespmem:s16+$0x1010] =	vst v0  }
0x30: {  	s17 =	sadd.s32 $0x2000, s17;
	s19 =	sshll.u32 s18, $0x5;
	[tilespmem:s16+$0x1020] =	vst v0  }
0x31: {  	s21 =	sshll.u32 s18, $0x8;
	s20 =	sand.u32 $0x6000, s17;
	s18 =	sadd.s32 $0x1, s18;
	[tilespmem:s16+$0x1030] =	vst v0  }
0x32: {  	s17 =	sand.u32 $0xE000, s21;
	s18 =	sshrl.u32 s20, $0x2;
	[tilespmem:s16+$0x1040] =	vst v0  }
0x33: {  	s19 =	sand.u32 $0x380, s19;
	[tilespmem:s16+$0x1050] =	vst v0;
	s17 =	sor.u32 s18, s17  }
0x34: {  	[tilespmem:s16+$0x1060] =	vst v0;
	s17 =	sor.u32 s19, s17  }
0x35: {  	[tilespmem:s17+$0x1070] =	vst v0  }
0x36: {  	[tilespmem:s17+$0xC00] =	vst v0  }
0x37: {  	[tilespmem:s17+$0xC10] =	vst v0  }
0x38: {  	[tilespmem:s17+$0xC20] =	vst v0  }
0x39: {  	[tilespmem:s17+$0xC30] =	vst v0  }
0x3a: {  	[tilespmem:s17+$0xC40] =	vst v0  }
0x3b: {  	[tilespmem:s17+$0xC50] =	vst v0  }
0x3c: {  	[tilespmem:s17+$0xC60] =	vst v0  }
0x3d: {  	[tilespmem:s17+$0xC70] =	vst v0  }
0x3e: {  	[tilespmem:s17+$0x1000] =	vst v0  }
0x3f: {  	[tilespmem:s17+$0x1010] =	vst v0  }
0x40: {  	[tilespmem:s17+$0x1020] =	vst v0  }
0x41: {  	[tilespmem:s17+$0x1030] =	vst v0  }
0x42: {  	[tilespmem:s17+$0x1040] =	vst v0  }
0x43: {  	[tilespmem:s17+$0x1050] =	vst v0  }
0x44: {  	[tilespmem:s17+$0x1060] =	vst v0  }
0x45: {  	_ =	swait.ge [sflag:s10], $0x400  }
0x46: {  	[sflag:s10] =	ssyncset.done $0x0  }
0x47: {  	[sflag:s10] =	ssyncadd.s32 $0xFFFFFC00  }
0x48: {  	_ =	swait.ge [sflag:s10], $0x400  }
0x49: {  	[sflag:s10] =	ssyncset.done $0x0  }
0x4a: {  	[sflag:s10] =	ssyncadd.s32 $0xFFFFFC00  }
0x4b: {  	_ =	swait.ge [sflag:s10], $0x400  }
0x4c: {  	[sflag:s10] =	ssyncset.done $0x0  }
0x4d: {  	s31 =	simm.s32 $0x0;
	[sflag:s10] =	ssyncadd.s32 $0xFFFFFC00  }
0x4e: {  	v2 =	vld [tilespmem:s31+$0x0];
	_ =	sdelay $0x4  }
0x4f: {  	v2 =	vtrunc.f32 v2  }
0x50: {  	v2 =	vcvt.f32.s32 v2;
	_ =	sdelay $0x1  }
0x51: {  	v3 =	vmov s31;
	vm0 =	vgt.s32 v2, $0x0  }
0x52: {  	v3 =	vshll.u32 v3, $0x3;
	v4 =	vnsel vm0, $0x0, v2  }
0x53: {  	v5 =	vor.u32 s31, v1;
	v3 =	vand.u32 $0x1C00, v3;
	v4 =	vmin.u32 v4, $0x3F  }
0x54: {  	vm15 =	vgt.s32 v2, $0x3E;
	v2 =	vadd.s32 $0x1, v4;
	v6 =	vshll.u32 v4, $0xA  }
0x55: {  	v4 =	vshll.u32 v4, $0x7;
	v2 =	vsel vm15, $0x0, v2;
	v6 =	vand.u32 $0xE000, v6  }
0x56: {  	v4 =	vand.u32 $0x380, v4;
	v7 =	vshll.u32 v2, $0xA;
	v2 =	vshll.u32 v2, $0x7  }
0x57: {  	v4 =	vor.u32 v6, v4;
	v62 =	vand.u32 $0x1E000, v7;
	v2 =	vand.u32 $0x380, v2  }
0x58: {  	s16 =	simm.s32 $0x400;
	v5 =	vand.u32 $0x7F, v5;
	v4 =	vor.u32 v3, v4;
	v2 =	vor.u32 v62, v2  }
0x59: {  	s17 =	simm.s32 $0x800;
	v63 =	vld [tilespmem:s16+$0x0];
	v4 =	vor.u32 v5, v4;
	v2 =	vor.u32 v3, v2  }
0x5a: {  	v3 =	vld [tilespmem:s17+$0x0];
	v2 =	vor.u32 v5, v2;
	_ =	sdelay $0x3  }
0x5b: {  	[tilespmem:v4+s11+$0x0] =	vst.idx.msk $0xffff, v63  }
0x5c: {  	s18 =	simm.s32 $0x10;
	[tilespmem:v2+s11+$0x0] =	vst.idx.msk $0xffff, v3  }
0x5d: {  	s20 =	simm.s32 $0x10;
	s19 =	simm.s32 $0x20;
	v2 =	vld [tilespmem:s18+$0x0]  }
.LBB2_4:
0x5e: {  	p0 =	sne.s32 s19, $0x3F0;
	_ =	sdelay $0x3  }
0x5f: {  	v2 =	vtrunc.f32 v2  }
0x60: {  	v2 =	vcvt.f32.s32 v2;
	_ =	sdelay $0x1  }
0x61: {  	v3 =	vmov s18;
	vm0 =	vgt.s32 v2, $0x0  }
0x62: {  	v3 =	vshll.u32 v3, $0x3;
	v4 =	vnsel vm0, $0x0, v2  }
0x63: {  	v5 =	vor.u32 s18, v1;
	s18 =	smov.u32 s19;
	v3 =	vand.u32 $0x1C00, v3;
	v4 =	vmin.u32 v4, $0x3F  }
0x64: {  	vm0 =	vgt.s32 v2, $0x3E;
	v2 =	vadd.s32 $0x1, v4;
	v6 =	vshll.u32 v4, $0xA  }
0x65: {  	v4 =	vshll.u32 v4, $0x7;
	v2 =	vsel vm0, $0x0, v2;
	v6 =	vand.u32 $0xE000, v6  }
0x66: {  	v4 =	vand.u32 $0x380, v4;
	v7 =	vshll.u32 v2, $0xA;
	v2 =	vshll.u32 v2, $0x7  }
0x67: {  	v4 =	vor.u32 v6, v4;
	v6 =	vand.u32 $0x1E000, v7;
	v2 =	vand.u32 $0x380, v2  }
0x68: {  	s16 =	sadd.s32 $0x10, s16;
	v5 =	vand.u32 $0x7F, v5;
	v4 =	vor.u32 v3, v4;
	v2 =	vor.u32 v6, v2  }
0x69: {  	s17 =	sadd.s32 $0x10, s17;
	v4 =	vor.u32 v5, v4;
	v6 =	vld [tilespmem:s16+$0x0];
	v2 =	vor.u32 v3, v2  }
0x6a: {  	v3 =	vld [tilespmem:s17+$0x0];
	v2 =	vor.u32 v5, v2;
	_ =	sdelay $0x1  }
.Ltmp1:
0x6b: {  	(pc) =	sbr.rel @p0 .LBB2_4-.Ltmp1, $4  }
0x6c: {  	_ = 	snop  }
0x6d: {  	[tilespmem:v4+s11+$0x0] =	vst.idx.msk $0xffff, v6  }
0x6e: {  	s20 =	sadd.s32 $0x10, s20;
	[tilespmem:v2+s11+$0x0] =	vst.idx.msk $0xffff, v3  }
0x6f: {  	s19 =	sadd.s32 $0x10, s19;
	v2 =	vld [tilespmem:s20+$0x0]  }
0x70: {  	_ =	sdelay $0x3  }
0x71: {  	v2 =	vtrunc.f32 v2  }
0x72: {  	v2 =	vcvt.f32.s32 v2;
	_ =	sdelay $0x1  }
0x73: {  	v3 =	vmov s18;
	vm0 =	vgt.s32 v2, $0x0  }
0x74: {  	v3 =	vshll.u32 v3, $0x3;
	v4 =	vnsel vm0, $0x0, v2  }
0x75: {  	v5 =	vor.u32 s18, v1;
	v3 =	vand.u32 $0x1C00, v3;
	v4 =	vmin.u32 v4, $0x3F  }
0x76: {  	vm15 =	vgt.s32 v2, $0x3E;
	v2 =	vadd.s32 $0x1, v4;
	v6 =	vshll.u32 v4, $0xA  }
0x77: {  	v4 =	vshll.u32 v4, $0x7;
	v2 =	vsel vm15, $0x0, v2;
	v6 =	vand.u32 $0xE000, v6  }
0x78: {  	v4 =	vand.u32 $0x380, v4;
	v7 =	vshll.u32 v2, $0xA;
	v2 =	vshll.u32 v2, $0x7  }
0x79: {  	v4 =	vor.u32 v6, v4;
	v62 =	vand.u32 $0x1E000, v7;
	v2 =	vand.u32 $0x380, v2  }
0x7a: {  	s16 =	sadd.s32 $0x10, s16;
	v5 =	vand.u32 $0x7F, v5;
	v4 =	vor.u32 v3, v4;
	v2 =	vor.u32 v62, v2  }
0x7b: {  	s31 =	sadd.s32 $0x10, s17;
	v63 =	vld [tilespmem:s16+$0x0];
	v4 =	vor.u32 v5, v4;
	v2 =	vor.u32 v3, v2  }
0x7c: {  	v3 =	vld [tilespmem:s31+$0x0];
	v2 =	vor.u32 v5, v2;
	_ =	sdelay $0x2  }
0x7d: {  	s15 =	sadd.s32 $0x1, s15  }
0x7e: {  	p0 =	sne.s32 s15, s7;
	[tilespmem:v4+s11+$0x0] =	vst.idx.msk $0xffff, v63  }
.Ltmp2:
0x7f: {  	[tilespmem:v2+s11+$0x0] =	vst.idx.msk $0xffff, v3;
	(pc) =	sbr.rel @p0 .LBB2_1-.Ltmp2, $4  }
0x80: {  	[hbm4b:s6+s12] =	stream.strided.scatter [tilespmem:s11], [sflag:$0x2], $0x10000, s13, s12, $0x38;
	[tilespmem:$0x10C00] =	vst v63  }
0x81: {  	_ =	swait.ge [sflag:s14], $0x10000  }
0x82: {  	[sflag:s14] =	ssyncset.done $0x0  }
0x83: {  	[sflag:s14] =	ssyncadd.s32 $0xFFFF0000  }
0x84: {  	_ =	sfence.sel $0x180000  }
0x85: {  	[bflag:$0x0] =	sbarrier.arrive $0xFFFF  }
0x86: {  	p0 =	sne.s32 s1, $0x0;
	_ =	strace $0x90000047  }
0x87: {  	s0 =	sadd.s32 @!p0 $0x100000, s0;
	[bflag:$0x2] =	sbarrier.arrive $0xFFFF  }
0x88: {  	[sflag:s0] =	ssyncadd.tile.s32 @!p0 $0x1;
	_ =	shalt  }
.Lfunc_end2:
_tile_overlayer_lowered:
.L_overlay_start_2:
0x89: {  	(tag) =	ssettag $0x2  }
0x8a: {  	s0 =	rddreg [dreg:$0x0];
	s2 =	stileid.u32  }
0x8b: {  	s1 =	rddreg [dreg:$0x1];
	p0 =	sne.s32 s2, $0x0  }
0x8c: {  	s3 =	rddreg [dreg:$0x2];
	[bflag:$0x3] =	sbarrier.arrive $0xFFFF;
	s2 =	simm.s32 @!p0 $0x1C02  }
0x8d: {  	[timem:s3], [sflag:s2] =	dma.local @!p0 [hbm:s0], s1  }
0x8e: {  	s0 =	simm.s32 @!p0 $0x2  }
0x8f: {  	_ =	swait.ge @!p0 [sflag:s0], s1  }
0x90: {  	s1 =	ssub.s32 @!p0 $0x0, s1;
	[sflag:s0] =	ssyncset.done @!p0 $0x0  }
0x91: {  	[sflag:s0] =	ssyncadd.s32 @!p0 s1  }
0x92: {  	[bflag:$0x3] =	sbarrier.arrive $0xFFFF  }
0x93: {  	_ =	shalt  }

</sc_bundles>
